<compile_context>
chip_gen: v7x
topology: tpu7x:2x2x1
jax: 0.10.2.dev20260603
libtpu: 0.0.44.dev20260713+nightly
codegen_flags: <defaults>
</compile_context>

<pallas_src>
import functools

import jax
import jax.numpy as jnp
from jax import lax
from jax.experimental import pallas as pl
from jax.experimental.pallas import tpu as pltpu
from jax.experimental.pallas import tpu_sc as plsc

LATENT = 256
K = 8192
BETA = 0.25
M = 8 * 56 * 56
RBLK = 256
NBLK = M // RBLK
KWIN = 2048
KEDGES = tuple(range(0, K, KWIN)) + (K,)

NW = 32
BPW = M // NW
SUB = 112
NSUB = BPW // SUB


def _vq_tc_body(flat_ref, cb_ref, idx_ref, ppl_ref, loss_ref,
                cnorm_ref, counts_ref, losssum_ref, neg2cb_ref):
    i = pl.program_id(0)

    @pl.when(i == 0)
    def _init():
        cb = cb_ref[...]
        cnorm_ref[...] = jnp.sum(cb * cb, axis=1)[None, :]
        counts_ref[...] = jnp.zeros_like(counts_ref)
        losssum_ref[...] = jnp.zeros_like(losssum_ref)
        neg2cb_ref[...] = cb * -2.0

    flat = flat_ref[...]
    mm2 = lax.dot_general(flat, neg2cb_ref[...], (((1,), (1,)), ((), ())),
                          preferred_element_type=jnp.float32)
    znorm = jnp.sum(flat * flat, axis=1, keepdims=True)
    dist = (znorm + mm2) + cnorm_ref[...]
    lane = lax.broadcasted_iota(jnp.int32, dist.shape, 1)

    def _rnd(x):
        xi = lax.bitcast_convert_type(x, jnp.int32)
        xi = (xi + 0x7FFF + ((xi >> 16) & 1)) & jnp.int32(-65536)
        return lax.bitcast_convert_type(xi, jnp.float32)

    ms = [jnp.min(dist[:, s:e], axis=1, keepdims=True)
          for s, e in zip(KEDGES[:-1], KEDGES[1:])]
    v = _rnd(ms[0])
    acc_m = ms[0]
    acc_w = jnp.zeros_like(ms[0], dtype=jnp.int32)
    for w, mw in enumerate(ms[1:], start=1):
        keep = v <= mw
        acc_w = jnp.where(keep, acc_w, w)
        acc_m = jnp.where(keep, acc_m, mw)
        v = jnp.where(keep, v, _rnd(mw))
    hit = (dist == acc_m) & ((lane >> 11) == acc_w)
    idx = jnp.min(jnp.where(hit, lane, K), axis=1)
    idx_ref[...] = idx[None, None, :]
    counts_ref[...] += jnp.sum(hit.astype(jnp.float32), axis=0, keepdims=True)
    losssum_ref[...] += jnp.sum(acc_m, axis=(0, 1), keepdims=True)

    @pl.when(i == NBLK - 1)
    def _fin():
        p = counts_ref[...] * (1.0 / M)
        ent = jnp.sum(p * jnp.log(p + 1e-10), axis=(0, 1), keepdims=True)
        ppl_ref[...] = jnp.exp(-ent)
        loss_ref[...] = BETA * (losssum_ref[...] * (1.0 / (M * LATENT)))


def _vq_argmin(flat, codebook):
    return pl.pallas_call(
        _vq_tc_body,
        grid=(NBLK,),
        in_specs=[
            pl.BlockSpec((RBLK, LATENT), lambda i: (i, 0)),
            pl.BlockSpec((K, LATENT), lambda i: (0, 0)),
        ],
        out_specs=[
            pl.BlockSpec((1, 1, RBLK), lambda i: (i, 0, 0)),
            pl.BlockSpec((1, 1), lambda i: (0, 0)),
            pl.BlockSpec((1, 1), lambda i: (0, 0)),
        ],
        out_shape=[
            jax.ShapeDtypeStruct((NBLK, 1, RBLK), jnp.int32),
            jax.ShapeDtypeStruct((1, 1), jnp.float32),
            jax.ShapeDtypeStruct((1, 1), jnp.float32),
        ],
        scratch_shapes=[
            pltpu.VMEM((1, K), jnp.float32),
            pltpu.VMEM((1, K), jnp.float32),
            pltpu.VMEM((1, 1), jnp.float32),
            pltpu.VMEM((K, LATENT), jnp.float32),
        ],
    )(flat, codebook)


@functools.cache
def _make_sc_gather():
    @functools.partial(
        pl.kernel,
        out_type=jax.ShapeDtypeStruct((M, LATENT), jnp.float32),
        mesh=plsc.VectorSubcoreMesh(core_axis_name="c", subcore_axis_name="s"),
        scratch_types=[
            pltpu.VMEM((SUB,), jnp.int32),
            pltpu.VMEM((SUB, LATENT), jnp.float32),
            pltpu.SemaphoreType.DMA,
        ],
    )
    def _sc_gather(table_hbm, idx_hbm, out_hbm, idx_v, rows_v, sem):
        wid = lax.axis_index("s") * 2 + lax.axis_index("c")
        base = wid * BPW
        for j in range(NSUB):
            off = base + j * SUB
            pltpu.sync_copy(idx_hbm.at[pl.ds(off, SUB)], idx_v)
            pltpu.async_copy(table_hbm.at[idx_v], rows_v, sem).wait()
            pltpu.sync_copy(rows_v, out_hbm.at[pl.ds(off, SUB)])

    return _sc_gather


def _conv2(x, W, b, stride):
    y = lax.conv_general_dilated(x, W, (stride, stride), 'SAME',
                                 dimension_numbers=('NHWC', 'HWIO', 'NHWC'))
    return y + b


def _deconv2(x, W, b, stride):
    y = lax.conv_transpose(x, W, (stride, stride), 'SAME',
                           dimension_numbers=('NHWC', 'HWIO', 'NHWC'))
    return y + b


def kernel(x, W1, b1, W2, b2, W3, b3, codebook, D1, bd1, D2, bd2, D3, bd3,
           training):
    ze = jax.nn.relu(_conv2(x, W1, b1, 2))
    ze = jax.nn.relu(_conv2(ze, W2, b2, 2))
    ze = _conv2(ze, W3, b3, 1)

    flat = ze.reshape(-1, LATENT)
    idx, ppl, loss = _vq_argmin(flat, codebook)
    idx = idx.reshape(M)
    zq = _make_sc_gather()(codebook, idx).reshape(ze.shape)

    zq_st = ze + lax.stop_gradient(zq - ze)

    h = jax.nn.relu(_conv2(zq_st, D1, bd1, 1))
    h = jax.nn.relu(_deconv2(h, D2, bd2, 2))
    recon = _deconv2(h, D3, bd3, 2)
    return (recon, ppl.reshape(()), loss.reshape(()))

# --- scband reference (transcript-rebuilt; emitter-appended) ---
"""Pipeline reference for scband-vqvae-ema-52725018526213 (READ-ONLY COPY).

The authoritative reference and input builder live on the scoring server;
editing this copy changes nothing except your own understanding.
"""

import jax, jax.numpy as jnp
import numpy as np

LATENT = 256
K = 8192
BETA = 0.25

def _conv(x, W, b, stride):
    y = jax.lax.conv_general_dilated(x, W, (stride, stride), 'SAME', dimension_numbers=('NHWC', 'HWIO', 'NHWC'))
    return y + b

def _deconv(x, W, b, stride):
    y = jax.lax.conv_transpose(x, W, (stride, stride), 'SAME', dimension_numbers=('NHWC', 'HWIO', 'NHWC'))
    return y + b

def setup_inputs(seed: int = 0):
    key = jax.random.key(seed)
    ks = jax.random.split(key, 12)
    d = {}
    d['x'] = jax.random.normal(ks[0], (8, 224, 224, 3), dtype=jnp.float32)
    d['W1'] = jax.random.normal(ks[1], (4, 4, 3, 128), dtype=jnp.float32) * 0.05
    d['b1'] = jnp.zeros((128,), jnp.float32)
    d['W2'] = jax.random.normal(ks[2], (4, 4, 128, 256), dtype=jnp.float32) * 0.05
    d['b2'] = jnp.zeros((256,), jnp.float32)
    d['W3'] = jax.random.normal(ks[3], (3, 3, 256, LATENT), dtype=jnp.float32) * 0.05
    d['b3'] = jnp.zeros((LATENT,), jnp.float32)
    d['codebook'] = jax.random.normal(ks[4], (K, LATENT), dtype=jnp.float32) * 0.05
    d['D1'] = jax.random.normal(ks[5], (3, 3, LATENT, 256), dtype=jnp.float32) * 0.05
    d['bd1'] = jnp.zeros((256,), jnp.float32)
    d['D2'] = jax.random.normal(ks[6], (4, 4, 256, 128), dtype=jnp.float32) * 0.05
    d['bd2'] = jnp.zeros((128,), jnp.float32)
    d['D3'] = jax.random.normal(ks[7], (4, 4, 128, 3), dtype=jnp.float32) * 0.05
    d['bd3'] = jnp.zeros((3,), jnp.float32)
    d['training'] = False
    return d

def reference(x, W1, b1, W2, b2, W3, b3, codebook, D1, bd1, D2, bd2, D3, bd3, training):
    # Encoder
    ze = jax.nn.relu(_conv(x, W1, b1, 2))
    ze = jax.nn.relu(_conv(ze, W2, b2, 2))
    ze = _conv(ze, W3, b3, 1)
    # VectorQuantizerEMA (eval mode: EMA buffers not updated when training=False)
    flat = ze.reshape(-1, LATENT)
    dist = jnp.sum(flat * flat, axis=1, keepdims=True) - 2.0 * (flat @ codebook.T) + jnp.sum(codebook * codebook, axis=1)
    idx = jnp.argmin(dist, axis=1)
    enc = jax.nn.one_hot(idx, K, dtype=jnp.float32)
    zq = jnp.take(codebook, idx, axis=0).reshape(ze.shape)
    avg_probs = jnp.mean(enc, axis=0)
    perplexity = jnp.exp(-jnp.sum(avg_probs * jnp.log(avg_probs + 1e-10)))
    # EMA codebook: only commitment loss contributes (codebook learned via EMA, not grads)
    loss = BETA * jnp.mean((jax.lax.stop_gradient(zq) - ze) ** 2)
    # straight-through estimator
    zq_st = ze + jax.lax.stop_gradient(zq - ze)
    # Decoder
    h = jax.nn.relu(_conv(zq_st, D1, bd1, 1))
    h = jax.nn.relu(_deconv(h, D2, bd2, 2))
    recon = _deconv(h, D3, bd3, 2)
    return (recon, perplexity, loss)

if __name__ == "__main__":
    import jax
    _d = setup_inputs()
    print(jax.jit(kernel)(*tuple(_d.values())))

</pallas_src>

<mosaic_0001>
#map = affine_map<(d0, d1) -> (0, 0)>
#map1 = affine_map<(d0, d1) -> (0)>
module attributes {stable_mosaic.version = 14 : i64} {
  func.func @_sc_gather(%arg0: i32, %arg1: i32, %arg2: memref<8192x256xf32, #tpu.memory_space<hbm>>, %arg3: memref<25088xi32, #tpu.memory_space<hbm>>, %arg4: memref<25088x256xf32, #tpu.memory_space<hbm>>, %arg5: memref<112xi32, #tpu.memory_space<vmem>>, %arg6: memref<112x256xf32, #tpu.memory_space<vmem>>, %arg7: memref<!tpu.dma_semaphore, #tpu.memory_space<semaphore_mem>>) attributes {dimension_semantics = [#tpu.dimension_semantics<core_parallel>, #tpu.dimension_semantics<subcore_parallel>], iteration_bounds = array<i64: 2, 16>, scalar_prefetch = 0 : i64, scratch_operands = 3 : i64, tpu.core_type = #tpu.core_type<sc_vector_subcore>, window_params = [{transform_indices = #map}, {transform_indices = #map1}, {transform_indices = #map}]} {
    %mul3A = arith.constant 2 : i32
    %mul3A_0 = arith.muli %arg1, %mul3A : i32
    %add3A = arith.addi %mul3A_0, %arg0 : i32
    %mul3A_1 = arith.constant 784 : i32
    %mul3A_2 = arith.muli %add3A, %mul3A_1 : i32
    %add3A_3 = arith.constant 0 : i32
    %add3A_4 = arith.addi %mul3A_2, %add3A_3 : i32
    "tpu.region"() ({
      %run_scoped3A = tpu.sem_alloc : memref<!tpu.dma_semaphore, #tpu.memory_space<semaphore_mem>>
      %dma_start3A_57 = tpu.memref_slice %arg3[%add3A_4] : memref<25088xi32, #tpu.memory_space<hbm>> -> memref<112xi32, #tpu.memory_space<hbm>>
      %dma_start3A_58 = tpu.memref_slice %arg3[%add3A_4] : memref<25088xi32, #tpu.memory_space<hbm>> -> memref<112xi32, #tpu.memory_space<hbm>>
      tpu.enqueue_dma source(%dma_start3A_58 : memref<112xi32, #tpu.memory_space<hbm>>) target(%arg5 : memref<112xi32, #tpu.memory_space<vmem>>) target_semaphore(%run_scoped3A : memref<!tpu.dma_semaphore, #tpu.memory_space<semaphore_mem>>)
      %dma_wait3A_59 = tpu.memref_slice %arg3[%add3A_4] : memref<25088xi32, #tpu.memory_space<hbm>> -> memref<112xi32, #tpu.memory_space<hbm>>
      %dma_wait3A_60 = tpu.memref_slice %arg3[%add3A_4] : memref<25088xi32, #tpu.memory_space<hbm>> -> memref<112xi32, #tpu.memory_space<hbm>>
      tpu.wait_dma2 semaphore(%run_scoped3A : memref<!tpu.dma_semaphore, #tpu.memory_space<semaphore_mem>>) src(%dma_wait3A_60 : memref<112xi32, #tpu.memory_space<hbm>>) dst(%arg5 : memref<112xi32, #tpu.memory_space<vmem>>)
      tpu.yield
    }) : () -> ()
    %dma_start3A = arith.constant 0 : i32
    %dma_start3A_5 = arith.constant 0 : i32
    %dma_start3A_6 = tpu.memref_slice %arg2[%dma_start3A, %dma_start3A_5] : memref<8192x256xf32, #tpu.memory_space<hbm>> -> memref<8192x256xf32, #tpu.memory_space<hbm>>
    tpu.enqueue_indirect_dma source(%dma_start3A_6 : memref<8192x256xf32, #tpu.memory_space<hbm>>) target(%arg6 : memref<112x256xf32, #tpu.memory_space<vmem>>) offsets(%arg5 : memref<112xi32, #tpu.memory_space<vmem>>) semaphore(%arg7 : memref<!tpu.dma_semaphore, #tpu.memory_space<semaphore_mem>>)
    %dma_wait3A = arith.constant 0 : i32
    %dma_wait3A_7 = arith.constant 0 : i32
    %dma_wait3A_8 = tpu.memref_slice %arg2[%dma_wait3A, %dma_wait3A_7] : memref<8192x256xf32, #tpu.memory_space<hbm>> -> memref<8192x256xf32, #tpu.memory_space<hbm>>
    tpu.wait_indirect_dma semaphore(%arg7 : memref<!tpu.dma_semaphore, #tpu.memory_space<semaphore_mem>>) src(%dma_wait3A_8 : memref<8192x256xf32, #tpu.memory_space<hbm>>) dst(%arg6 : memref<112x256xf32, #tpu.memory_space<vmem>>)
    "tpu.region"() ({
      %run_scoped3A = tpu.sem_alloc : memref<!tpu.dma_semaphore, #tpu.memory_space<semaphore_mem>>
      %dma_start3A_57 = arith.constant 0 : i32
      %dma_start3A_58 = tpu.memref_slice %arg4[%add3A_4, %dma_start3A_57] : memref<25088x256xf32, #tpu.memory_space<hbm>> -> memref<112x256xf32, #tpu.memory_space<hbm>>
      %dma_start3A_59 = arith.constant 0 : i32
      %dma_start3A_60 = tpu.memref_slice %arg4[%add3A_4, %dma_start3A_59] : memref<25088x256xf32, #tpu.memory_space<hbm>> -> memref<112x256xf32, #tpu.memory_space<hbm>>
      tpu.enqueue_dma source(%arg6 : memref<112x256xf32, #tpu.memory_space<vmem>>) target(%dma_start3A_60 : memref<112x256xf32, #tpu.memory_space<hbm>>) target_semaphore(%run_scoped3A : memref<!tpu.dma_semaphore, #tpu.memory_space<semaphore_mem>>)
      %dma_wait3A_61 = arith.constant 0 : i32
      %dma_wait3A_62 = tpu.memref_slice %arg4[%add3A_4, %dma_wait3A_61] : memref<25088x256xf32, #tpu.memory_space<hbm>> -> memref<112x256xf32, #tpu.memory_space<hbm>>
      %dma_wait3A_63 = arith.constant 0 : i32
      %dma_wait3A_64 = tpu.memref_slice %arg4[%add3A_4, %dma_wait3A_63] : memref<25088x256xf32, #tpu.memory_space<hbm>> -> memref<112x256xf32, #tpu.memory_space<hbm>>
      tpu.wait_dma2 semaphore(%run_scoped3A : memref<!tpu.dma_semaphore, #tpu.memory_space<semaphore_mem>>) src(%arg6 : memref<112x256xf32, #tpu.memory_space<vmem>>) dst(%dma_wait3A_64 : memref<112x256xf32, #tpu.memory_space<hbm>>)
      tpu.yield
    }) : () -> ()
    %add3A_9 = arith.constant 112 : i32
    %add3A_10 = arith.addi %mul3A_2, %add3A_9 : i32
    "tpu.region"() ({
      %run_scoped3A = tpu.sem_alloc : memref<!tpu.dma_semaphore, #tpu.memory_space<semaphore_mem>>
      %dma_start3A_57 = tpu.memref_slice %arg3[%add3A_10] : memref<25088xi32, #tpu.memory_space<hbm>> -> memref<112xi32, #tpu.memory_space<hbm>>
      %dma_start3A_58 = tpu.memref_slice %arg3[%add3A_10] : memref<25088xi32, #tpu.memory_space<hbm>> -> memref<112xi32, #tpu.memory_space<hbm>>
      tpu.enqueue_dma source(%dma_start3A_58 : memref<112xi32, #tpu.memory_space<hbm>>) target(%arg5 : memref<112xi32, #tpu.memory_space<vmem>>) target_semaphore(%run_scoped3A : memref<!tpu.dma_semaphore, #tpu.memory_space<semaphore_mem>>)
      %dma_wait3A_59 = tpu.memref_slice %arg3[%add3A_10] : memref<25088xi32, #tpu.memory_space<hbm>> -> memref<112xi32, #tpu.memory_space<hbm>>
      %dma_wait3A_60 = tpu.memref_slice %arg3[%add3A_10] : memref<25088xi32, #tpu.memory_space<hbm>> -> memref<112xi32, #tpu.memory_space<hbm>>
      tpu.wait_dma2 semaphore(%run_scoped3A : memref<!tpu.dma_semaphore, #tpu.memory_space<semaphore_mem>>) src(%dma_wait3A_60 : memref<112xi32, #tpu.memory_space<hbm>>) dst(%arg5 : memref<112xi32, #tpu.memory_space<vmem>>)
      tpu.yield
    }) : () -> ()
    %dma_start3A_11 = arith.constant 0 : i32
    %dma_start3A_12 = arith.constant 0 : i32
    %dma_start3A_13 = tpu.memref_slice %arg2[%dma_start3A_11, %dma_start3A_12] : memref<8192x256xf32, #tpu.memory_space<hbm>> -> memref<8192x256xf32, #tpu.memory_space<hbm>>
    tpu.enqueue_indirect_dma source(%dma_start3A_13 : memref<8192x256xf32, #tpu.memory_space<hbm>>) target(%arg6 : memref<112x256xf32, #tpu.memory_space<vmem>>) offsets(%arg5 : memref<112xi32, #tpu.memory_space<vmem>>) semaphore(%arg7 : memref<!tpu.dma_semaphore, #tpu.memory_space<semaphore_mem>>)
    %dma_wait3A_14 = arith.constant 0 : i32
    %dma_wait3A_15 = arith.constant 0 : i32
    %dma_wait3A_16 = tpu.memref_slice %arg2[%dma_wait3A_14, %dma_wait3A_15] : memref<8192x256xf32, #tpu.memory_space<hbm>> -> memref<8192x256xf32, #tpu.memory_space<hbm>>
    tpu.wait_indirect_dma semaphore(%arg7 : memref<!tpu.dma_semaphore, #tpu.memory_space<semaphore_mem>>) src(%dma_wait3A_16 : memref<8192x256xf32, #tpu.memory_space<hbm>>) dst(%arg6 : memref<112x256xf32, #tpu.memory_space<vmem>>)
    "tpu.region"() ({
      %run_scoped3A = tpu.sem_alloc : memref<!tpu.dma_semaphore, #tpu.memory_space<semaphore_mem>>
      %dma_start3A_57 = arith.constant 0 : i32
      %dma_start3A_58 = tpu.memref_slice %arg4[%add3A_10, %dma_start3A_57] : memref<25088x256xf32, #tpu.memory_space<hbm>> -> memref<112x256xf32, #tpu.memory_space<hbm>>
      %dma_start3A_59 = arith.constant 0 : i32
      %dma_start3A_60 = tpu.memref_slice %arg4[%add3A_10, %dma_start3A_59] : memref<25088x256xf32, #tpu.memory_space<hbm>> -> memref<112x256xf32, #tpu.memory_space<hbm>>
      tpu.enqueue_dma source(%arg6 : memref<112x256xf32, #tpu.memory_space<vmem>>) target(%dma_start3A_60 : memref<112x256xf32, #tpu.memory_space<hbm>>) target_semaphore(%run_scoped3A : memref<!tpu.dma_semaphore, #tpu.memory_space<semaphore_mem>>)
      %dma_wait3A_61 = arith.constant 0 : i32
      %dma_wait3A_62 = tpu.memref_slice %arg4[%add3A_10, %dma_wait3A_61] : memref<25088x256xf32, #tpu.memory_space<hbm>> -> memref<112x256xf32, #tpu.memory_space<hbm>>
      %dma_wait3A_63 = arith.constant 0 : i32
      %dma_wait3A_64 = tpu.memref_slice %arg4[%add3A_10, %dma_wait3A_63] : memref<25088x256xf32, #tpu.memory_space<hbm>> -> memref<112x256xf32, #tpu.memory_space<hbm>>
      tpu.wait_dma2 semaphore(%run_scoped3A : memref<!tpu.dma_semaphore, #tpu.memory_space<semaphore_mem>>) src(%arg6 : memref<112x256xf32, #tpu.memory_space<vmem>>) dst(%dma_wait3A_64 : memref<112x256xf32, #tpu.memory_space<hbm>>)
      tpu.yield
    }) : () -> ()
    %add3A_17 = arith.constant 224 : i32
    %add3A_18 = arith.addi %mul3A_2, %add3A_17 : i32
    "tpu.region"() ({
      %run_scoped3A = tpu.sem_alloc : memref<!tpu.dma_semaphore, #tpu.memory_space<semaphore_mem>>
      %dma_start3A_57 = tpu.memref_slice %arg3[%add3A_18] : memref<25088xi32, #tpu.memory_space<hbm>> -> memref<112xi32, #tpu.memory_space<hbm>>
      %dma_start3A_58 = tpu.memref_slice %arg3[%add3A_18] : memref<25088xi32, #tpu.memory_space<hbm>> -> memref<112xi32, #tpu.memory_space<hbm>>
      tpu.enqueue_dma source(%dma_start3A_58 : memref<112xi32, #tpu.memory_space<hbm>>) target(%arg5 : memref<112xi32, #tpu.memory_space<vmem>>) target_semaphore(%run_scoped3A : memref<!tpu.dma_semaphore, #tpu.memory_space<semaphore_mem>>)
      %dma_wait3A_59 = tpu.memref_slice %arg3[%add3A_18] : memref<25088xi32, #tpu.memory_space<hbm>> -> memref<112xi32, #tpu.memory_space<hbm>>
      %dma_wait3A_60 = tpu.memref_slice %arg3[%add3A_18] : memref<25088xi32, #tpu.memory_space<hbm>> -> memref<112xi32, #tpu.memory_space<hbm>>
      tpu.wait_dma2 semaphore(%run_scoped3A : memref<!tpu.dma_semaphore, #tpu.memory_space<semaphore_mem>>) src(%dma_wait3A_60 : memref<112xi32, #tpu.memory_space<hbm>>) dst(%arg5 : memref<112xi32, #tpu.memory_space<vmem>>)
      tpu.yield
    }) : () -> ()
    %dma_start3A_19 = arith.constant 0 : i32
    %dma_start3A_20 = arith.constant 0 : i32
    %dma_start3A_21 = tpu.memref_slice %arg2[%dma_start3A_19, %dma_start3A_20] : memref<8192x256xf32, #tpu.memory_space<hbm>> -> memref<8192x256xf32, #tpu.memory_space<hbm>>
    tpu.enqueue_indirect_dma source(%dma_start3A_21 : memref<8192x256xf32, #tpu.memory_space<hbm>>) target(%arg6 : memref<112x256xf32, #tpu.memory_space<vmem>>) offsets(%arg5 : memref<112xi32, #tpu.memory_space<vmem>>) semaphore(%arg7 : memref<!tpu.dma_semaphore, #tpu.memory_space<semaphore_mem>>)
    %dma_wait3A_22 = arith.constant 0 : i32
    %dma_wait3A_23 = arith.constant 0 : i32
    %dma_wait3A_24 = tpu.memref_slice %arg2[%dma_wait3A_22, %dma_wait3A_23] : memref<8192x256xf32, #tpu.memory_space<hbm>> -> memref<8192x256xf32, #tpu.memory_space<hbm>>
    tpu.wait_indirect_dma semaphore(%arg7 : memref<!tpu.dma_semaphore, #tpu.memory_space<semaphore_mem>>) src(%dma_wait3A_24 : memref<8192x256xf32, #tpu.memory_space<hbm>>) dst(%arg6 : memref<112x256xf32, #tpu.memory_space<vmem>>)
    "tpu.region"() ({
      %run_scoped3A = tpu.sem_alloc : memref<!tpu.dma_semaphore, #tpu.memory_space<semaphore_mem>>
      %dma_start3A_57 = arith.constant 0 : i32
      %dma_start3A_58 = tpu.memref_slice %arg4[%add3A_18, %dma_start3A_57] : memref<25088x256xf32, #tpu.memory_space<hbm>> -> memref<112x256xf32, #tpu.memory_space<hbm>>
      %dma_start3A_59 = arith.constant 0 : i32
      %dma_start3A_60 = tpu.memref_slice %arg4[%add3A_18, %dma_start3A_59] : memref<25088x256xf32, #tpu.memory_space<hbm>> -> memref<112x256xf32, #tpu.memory_space<hbm>>
      tpu.enqueue_dma source(%arg6 : memref<112x256xf32, #tpu.memory_space<vmem>>) target(%dma_start3A_60 : memref<112x256xf32, #tpu.memory_space<hbm>>) target_semaphore(%run_scoped3A : memref<!tpu.dma_semaphore, #tpu.memory_space<semaphore_mem>>)
      %dma_wait3A_61 = arith.constant 0 : i32
      %dma_wait3A_62 = tpu.memref_slice %arg4[%add3A_18, %dma_wait3A_61] : memref<25088x256xf32, #tpu.memory_space<hbm>> -> memref<112x256xf32, #tpu.memory_space<hbm>>
      %dma_wait3A_63 = arith.constant 0 : i32
      %dma_wait3A_64 = tpu.memref_slice %arg4[%add3A_18, %dma_wait3A_63] : memref<25088x256xf32, #tpu.memory_space<hbm>> -> memref<112x256xf32, #tpu.memory_space<hbm>>
      tpu.wait_dma2 semaphore(%run_scoped3A : memref<!tpu.dma_semaphore, #tpu.memory_space<semaphore_mem>>) src(%arg6 : memref<112x256xf32, #tpu.memory_space<vmem>>) dst(%dma_wait3A_64 : memref<112x256xf32, #tpu.memory_space<hbm>>)
      tpu.yield
    }) : () -> ()
    %add3A_25 = arith.constant 336 : i32
    %add3A_26 = arith.addi %mul3A_2, %add3A_25 : i32
    "tpu.region"() ({
      %run_scoped3A = tpu.sem_alloc : memref<!tpu.dma_semaphore, #tpu.memory_space<semaphore_mem>>
      %dma_start3A_57 = tpu.memref_slice %arg3[%add3A_26] : memref<25088xi32, #tpu.memory_space<hbm>> -> memref<112xi32, #tpu.memory_space<hbm>>
      %dma_start3A_58 = tpu.memref_slice %arg3[%add3A_26] : memref<25088xi32, #tpu.memory_space<hbm>> -> memref<112xi32, #tpu.memory_space<hbm>>
      tpu.enqueue_dma source(%dma_start3A_58 : memref<112xi32, #tpu.memory_space<hbm>>) target(%arg5 : memref<112xi32, #tpu.memory_space<vmem>>) target_semaphore(%run_scoped3A : memref<!tpu.dma_semaphore, #tpu.memory_space<semaphore_mem>>)
      %dma_wait3A_59 = tpu.memref_slice %arg3[%add3A_26] : memref<25088xi32, #tpu.memory_space<hbm>> -> memref<112xi32, #tpu.memory_space<hbm>>
      %dma_wait3A_60 = tpu.memref_slice %arg3[%add3A_26] : memref<25088xi32, #tpu.memory_space<hbm>> -> memref<112xi32, #tpu.memory_space<hbm>>
      tpu.wait_dma2 semaphore(%run_scoped3A : memref<!tpu.dma_semaphore, #tpu.memory_space<semaphore_mem>>) src(%dma_wait3A_60 : memref<112xi32, #tpu.memory_space<hbm>>) dst(%arg5 : memref<112xi32, #tpu.memory_space<vmem>>)
      tpu.yield
    }) : () -> ()
    %dma_start3A_27 = arith.constant 0 : i32
    %dma_start3A_28 = arith.constant 0 : i32
    %dma_start3A_29 = tpu.memref_slice %arg2[%dma_start3A_27, %dma_start3A_28] : memref<8192x256xf32, #tpu.memory_space<hbm>> -> memref<8192x256xf32, #tpu.memory_space<hbm>>
    tpu.enqueue_indirect_dma source(%dma_start3A_29 : memref<8192x256xf32, #tpu.memory_space<hbm>>) target(%arg6 : memref<112x256xf32, #tpu.memory_space<vmem>>) offsets(%arg5 : memref<112xi32, #tpu.memory_space<vmem>>) semaphore(%arg7 : memref<!tpu.dma_semaphore, #tpu.memory_space<semaphore_mem>>)
    %dma_wait3A_30 = arith.constant 0 : i32
    %dma_wait3A_31 = arith.constant 0 : i32
    %dma_wait3A_32 = tpu.memref_slice %arg2[%dma_wait3A_30, %dma_wait3A_31] : memref<8192x256xf32, #tpu.memory_space<hbm>> -> memref<8192x256xf32, #tpu.memory_space<hbm>>
    tpu.wait_indirect_dma semaphore(%arg7 : memref<!tpu.dma_semaphore, #tpu.memory_space<semaphore_mem>>) src(%dma_wait3A_32 : memref<8192x256xf32, #tpu.memory_space<hbm>>) dst(%arg6 : memref<112x256xf32, #tpu.memory_space<vmem>>)
    "tpu.region"() ({
      %run_scoped3A = tpu.sem_alloc : memref<!tpu.dma_semaphore, #tpu.memory_space<semaphore_mem>>
      %dma_start3A_57 = arith.constant 0 : i32
      %dma_start3A_58 = tpu.memref_slice %arg4[%add3A_26, %dma_start3A_57] : memref<25088x256xf32, #tpu.memory_space<hbm>> -> memref<112x256xf32, #tpu.memory_space<hbm>>
      %dma_start3A_59 = arith.constant 0 : i32
      %dma_start3A_60 = tpu.memref_slice %arg4[%add3A_26, %dma_start3A_59] : memref<25088x256xf32, #tpu.memory_space<hbm>> -> memref<112x256xf32, #tpu.memory_space<hbm>>
      tpu.enqueue_dma source(%arg6 : memref<112x256xf32, #tpu.memory_space<vmem>>) target(%dma_start3A_60 : memref<112x256xf32, #tpu.memory_space<hbm>>) target_semaphore(%run_scoped3A : memref<!tpu.dma_semaphore, #tpu.memory_space<semaphore_mem>>)
      %dma_wait3A_61 = arith.constant 0 : i32
      %dma_wait3A_62 = tpu.memref_slice %arg4[%add3A_26, %dma_wait3A_61] : memref<25088x256xf32, #tpu.memory_space<hbm>> -> memref<112x256xf32, #tpu.memory_space<hbm>>
      %dma_wait3A_63 = arith.constant 0 : i32
      %dma_wait3A_64 = tpu.memref_slice %arg4[%add3A_26, %dma_wait3A_63] : memref<25088x256xf32, #tpu.memory_space<hbm>> -> memref<112x256xf32, #tpu.memory_space<hbm>>
      tpu.wait_dma2 semaphore(%run_scoped3A : memref<!tpu.dma_semaphore, #tpu.memory_space<semaphore_mem>>) src(%arg6 : memref<112x256xf32, #tpu.memory_space<vmem>>) dst(%dma_wait3A_64 : memref<112x256xf32, #tpu.memory_space<hbm>>)
      tpu.yield
    }) : () -> ()
    %add3A_33 = arith.constant 448 : i32
    %add3A_34 = arith.addi %mul3A_2, %add3A_33 : i32
    "tpu.region"() ({
      %run_scoped3A = tpu.sem_alloc : memref<!tpu.dma_semaphore, #tpu.memory_space<semaphore_mem>>
      %dma_start3A_57 = tpu.memref_slice %arg3[%add3A_34] : memref<25088xi32, #tpu.memory_space<hbm>> -> memref<112xi32, #tpu.memory_space<hbm>>
      %dma_start3A_58 = tpu.memref_slice %arg3[%add3A_34] : memref<25088xi32, #tpu.memory_space<hbm>> -> memref<112xi32, #tpu.memory_space<hbm>>
      tpu.enqueue_dma source(%dma_start3A_58 : memref<112xi32, #tpu.memory_space<hbm>>) target(%arg5 : memref<112xi32, #tpu.memory_space<vmem>>) target_semaphore(%run_scoped3A : memref<!tpu.dma_semaphore, #tpu.memory_space<semaphore_mem>>)
      %dma_wait3A_59 = tpu.memref_slice %arg3[%add3A_34] : memref<25088xi32, #tpu.memory_space<hbm>> -> memref<112xi32, #tpu.memory_space<hbm>>
      %dma_wait3A_60 = tpu.memref_slice %arg3[%add3A_34] : memref<25088xi32, #tpu.memory_space<hbm>> -> memref<112xi32, #tpu.memory_space<hbm>>
      tpu.wait_dma2 semaphore(%run_scoped3A : memref<!tpu.dma_semaphore, #tpu.memory_space<semaphore_mem>>) src(%dma_wait3A_60 : memref<112xi32, #tpu.memory_space<hbm>>) dst(%arg5 : memref<112xi32, #tpu.memory_space<vmem>>)
      tpu.yield
    }) : () -> ()
    %dma_start3A_35 = arith.constant 0 : i32
    %dma_start3A_36 = arith.constant 0 : i32
    %dma_start3A_37 = tpu.memref_slice %arg2[%dma_start3A_35, %dma_start3A_36] : memref<8192x256xf32, #tpu.memory_space<hbm>> -> memref<8192x256xf32, #tpu.memory_space<hbm>>
    tpu.enqueue_indirect_dma source(%dma_start3A_37 : memref<8192x256xf32, #tpu.memory_space<hbm>>) target(%arg6 : memref<112x256xf32, #tpu.memory_space<vmem>>) offsets(%arg5 : memref<112xi32, #tpu.memory_space<vmem>>) semaphore(%arg7 : memref<!tpu.dma_semaphore, #tpu.memory_space<semaphore_mem>>)
    %dma_wait3A_38 = arith.constant 0 : i32
    %dma_wait3A_39 = arith.constant 0 : i32
    %dma_wait3A_40 = tpu.memref_slice %arg2[%dma_wait3A_38, %dma_wait3A_39] : memref<8192x256xf32, #tpu.memory_space<hbm>> -> memref<8192x256xf32, #tpu.memory_space<hbm>>
    tpu.wait_indirect_dma semaphore(%arg7 : memref<!tpu.dma_semaphore, #tpu.memory_space<semaphore_mem>>) src(%dma_wait3A_40 : memref<8192x256xf32, #tpu.memory_space<hbm>>) dst(%arg6 : memref<112x256xf32, #tpu.memory_space<vmem>>)
    "tpu.region"() ({
      %run_scoped3A = tpu.sem_alloc : memref<!tpu.dma_semaphore, #tpu.memory_space<semaphore_mem>>
      %dma_start3A_57 = arith.constant 0 : i32
      %dma_start3A_58 = tpu.memref_slice %arg4[%add3A_34, %dma_start3A_57] : memref<25088x256xf32, #tpu.memory_space<hbm>> -> memref<112x256xf32, #tpu.memory_space<hbm>>
      %dma_start3A_59 = arith.constant 0 : i32
      %dma_start3A_60 = tpu.memref_slice %arg4[%add3A_34, %dma_start3A_59] : memref<25088x256xf32, #tpu.memory_space<hbm>> -> memref<112x256xf32, #tpu.memory_space<hbm>>
      tpu.enqueue_dma source(%arg6 : memref<112x256xf32, #tpu.memory_space<vmem>>) target(%dma_start3A_60 : memref<112x256xf32, #tpu.memory_space<hbm>>) target_semaphore(%run_scoped3A : memref<!tpu.dma_semaphore, #tpu.memory_space<semaphore_mem>>)
      %dma_wait3A_61 = arith.constant 0 : i32
      %dma_wait3A_62 = tpu.memref_slice %arg4[%add3A_34, %dma_wait3A_61] : memref<25088x256xf32, #tpu.memory_space<hbm>> -> memref<112x256xf32, #tpu.memory_space<hbm>>
      %dma_wait3A_63 = arith.constant 0 : i32
      %dma_wait3A_64 = tpu.memref_slice %arg4[%add3A_34, %dma_wait3A_63] : memref<25088x256xf32, #tpu.memory_space<hbm>> -> memref<112x256xf32, #tpu.memory_space<hbm>>
      tpu.wait_dma2 semaphore(%run_scoped3A : memref<!tpu.dma_semaphore, #tpu.memory_space<semaphore_mem>>) src(%arg6 : memref<112x256xf32, #tpu.memory_space<vmem>>) dst(%dma_wait3A_64 : memref<112x256xf32, #tpu.memory_space<hbm>>)
      tpu.yield
    }) : () -> ()
    %add3A_41 = arith.constant 560 : i32
    %add3A_42 = arith.addi %mul3A_2, %add3A_41 : i32
    "tpu.region"() ({
      %run_scoped3A = tpu.sem_alloc : memref<!tpu.dma_semaphore, #tpu.memory_space<semaphore_mem>>
      %dma_start3A_57 = tpu.memref_slice %arg3[%add3A_42] : memref<25088xi32, #tpu.memory_space<hbm>> -> memref<112xi32, #tpu.memory_space<hbm>>
      %dma_start3A_58 = tpu.memref_slice %arg3[%add3A_42] : memref<25088xi32, #tpu.memory_space<hbm>> -> memref<112xi32, #tpu.memory_space<hbm>>
      tpu.enqueue_dma source(%dma_start3A_58 : memref<112xi32, #tpu.memory_space<hbm>>) target(%arg5 : memref<112xi32, #tpu.memory_space<vmem>>) target_semaphore(%run_scoped3A : memref<!tpu.dma_semaphore, #tpu.memory_space<semaphore_mem>>)
      %dma_wait3A_59 = tpu.memref_slice %arg3[%add3A_42] : memref<25088xi32, #tpu.memory_space<hbm>> -> memref<112xi32, #tpu.memory_space<hbm>>
      %dma_wait3A_60 = tpu.memref_slice %arg3[%add3A_42] : memref<25088xi32, #tpu.memory_space<hbm>> -> memref<112xi32, #tpu.memory_space<hbm>>
      tpu.wait_dma2 semaphore(%run_scoped3A : memref<!tpu.dma_semaphore, #tpu.memory_space<semaphore_mem>>) src(%dma_wait3A_60 : memref<112xi32, #tpu.memory_space<hbm>>) dst(%arg5 : memref<112xi32, #tpu.memory_space<vmem>>)
      tpu.yield
    }) : () -> ()
    %dma_start3A_43 = arith.constant 0 : i32
    %dma_start3A_44 = arith.constant 0 : i32
    %dma_start3A_45 = tpu.memref_slice %arg2[%dma_start3A_43, %dma_start3A_44] : memref<8192x256xf32, #tpu.memory_space<hbm>> -> memref<8192x256xf32, #tpu.memory_space<hbm>>
    tpu.enqueue_indirect_dma source(%dma_start3A_45 : memref<8192x256xf32, #tpu.memory_space<hbm>>) target(%arg6 : memref<112x256xf32, #tpu.memory_space<vmem>>) offsets(%arg5 : memref<112xi32, #tpu.memory_space<vmem>>) semaphore(%arg7 : memref<!tpu.dma_semaphore, #tpu.memory_space<semaphore_mem>>)
    %dma_wait3A_46 = arith.constant 0 : i32
    %dma_wait3A_47 = arith.constant 0 : i32
    %dma_wait3A_48 = tpu.memref_slice %arg2[%dma_wait3A_46, %dma_wait3A_47] : memref<8192x256xf32, #tpu.memory_space<hbm>> -> memref<8192x256xf32, #tpu.memory_space<hbm>>
    tpu.wait_indirect_dma semaphore(%arg7 : memref<!tpu.dma_semaphore, #tpu.memory_space<semaphore_mem>>) src(%dma_wait3A_48 : memref<8192x256xf32, #tpu.memory_space<hbm>>) dst(%arg6 : memref<112x256xf32, #tpu.memory_space<vmem>>)
    "tpu.region"() ({
      %run_scoped3A = tpu.sem_alloc : memref<!tpu.dma_semaphore, #tpu.memory_space<semaphore_mem>>
      %dma_start3A_57 = arith.constant 0 : i32
      %dma_start3A_58 = tpu.memref_slice %arg4[%add3A_42, %dma_start3A_57] : memref<25088x256xf32, #tpu.memory_space<hbm>> -> memref<112x256xf32, #tpu.memory_space<hbm>>
      %dma_start3A_59 = arith.constant 0 : i32
      %dma_start3A_60 = tpu.memref_slice %arg4[%add3A_42, %dma_start3A_59] : memref<25088x256xf32, #tpu.memory_space<hbm>> -> memref<112x256xf32, #tpu.memory_space<hbm>>
      tpu.enqueue_dma source(%arg6 : memref<112x256xf32, #tpu.memory_space<vmem>>) target(%dma_start3A_60 : memref<112x256xf32, #tpu.memory_space<hbm>>) target_semaphore(%run_scoped3A : memref<!tpu.dma_semaphore, #tpu.memory_space<semaphore_mem>>)
      %dma_wait3A_61 = arith.constant 0 : i32
      %dma_wait3A_62 = tpu.memref_slice %arg4[%add3A_42, %dma_wait3A_61] : memref<25088x256xf32, #tpu.memory_space<hbm>> -> memref<112x256xf32, #tpu.memory_space<hbm>>
      %dma_wait3A_63 = arith.constant 0 : i32
      %dma_wait3A_64 = tpu.memref_slice %arg4[%add3A_42, %dma_wait3A_63] : memref<25088x256xf32, #tpu.memory_space<hbm>> -> memref<112x256xf32, #tpu.memory_space<hbm>>
      tpu.wait_dma2 semaphore(%run_scoped3A : memref<!tpu.dma_semaphore, #tpu.memory_space<semaphore_mem>>) src(%arg6 : memref<112x256xf32, #tpu.memory_space<vmem>>) dst(%dma_wait3A_64 : memref<112x256xf32, #tpu.memory_space<hbm>>)
      tpu.yield
    }) : () -> ()
    %add3A_49 = arith.constant 672 : i32
    %add3A_50 = arith.addi %mul3A_2, %add3A_49 : i32
    "tpu.region"() ({
      %run_scoped3A = tpu.sem_alloc : memref<!tpu.dma_semaphore, #tpu.memory_space<semaphore_mem>>
      %dma_start3A_57 = tpu.memref_slice %arg3[%add3A_50] : memref<25088xi32, #tpu.memory_space<hbm>> -> memref<112xi32, #tpu.memory_space<hbm>>
      %dma_start3A_58 = tpu.memref_slice %arg3[%add3A_50] : memref<25088xi32, #tpu.memory_space<hbm>> -> memref<112xi32, #tpu.memory_space<hbm>>
      tpu.enqueue_dma source(%dma_start3A_58 : memref<112xi32, #tpu.memory_space<hbm>>) target(%arg5 : memref<112xi32, #tpu.memory_space<vmem>>) target_semaphore(%run_scoped3A : memref<!tpu.dma_semaphore, #tpu.memory_space<semaphore_mem>>)
      %dma_wait3A_59 = tpu.memref_slice %arg3[%add3A_50] : memref<25088xi32, #tpu.memory_space<hbm>> -> memref<112xi32, #tpu.memory_space<hbm>>
      %dma_wait3A_60 = tpu.memref_slice %arg3[%add3A_50] : memref<25088xi32, #tpu.memory_space<hbm>> -> memref<112xi32, #tpu.memory_space<hbm>>
      tpu.wait_dma2 semaphore(%run_scoped3A : memref<!tpu.dma_semaphore, #tpu.memory_space<semaphore_mem>>) src(%dma_wait3A_60 : memref<112xi32, #tpu.memory_space<hbm>>) dst(%arg5 : memref<112xi32, #tpu.memory_space<vmem>>)
      tpu.yield
    }) : () -> ()
    %dma_start3A_51 = arith.constant 0 : i32
    %dma_start3A_52 = arith.constant 0 : i32
    %dma_start3A_53 = tpu.memref_slice %arg2[%dma_start3A_51, %dma_start3A_52] : memref<8192x256xf32, #tpu.memory_space<hbm>> -> memref<8192x256xf32, #tpu.memory_space<hbm>>
    tpu.enqueue_indirect_dma source(%dma_start3A_53 : memref<8192x256xf32, #tpu.memory_space<hbm>>) target(%arg6 : memref<112x256xf32, #tpu.memory_space<vmem>>) offsets(%arg5 : memref<112xi32, #tpu.memory_space<vmem>>) semaphore(%arg7 : memref<!tpu.dma_semaphore, #tpu.memory_space<semaphore_mem>>)
    %dma_wait3A_54 = arith.constant 0 : i32
    %dma_wait3A_55 = arith.constant 0 : i32
    %dma_wait3A_56 = tpu.memref_slice %arg2[%dma_wait3A_54, %dma_wait3A_55] : memref<8192x256xf32, #tpu.memory_space<hbm>> -> memref<8192x256xf32, #tpu.memory_space<hbm>>
    tpu.wait_indirect_dma semaphore(%arg7 : memref<!tpu.dma_semaphore, #tpu.memory_space<semaphore_mem>>) src(%dma_wait3A_56 : memref<8192x256xf32, #tpu.memory_space<hbm>>) dst(%arg6 : memref<112x256xf32, #tpu.memory_space<vmem>>)
    "tpu.region"() ({
      %run_scoped3A = tpu.sem_alloc : memref<!tpu.dma_semaphore, #tpu.memory_space<semaphore_mem>>
      %dma_start3A_57 = arith.constant 0 : i32
      %dma_start3A_58 = tpu.memref_slice %arg4[%add3A_50, %dma_start3A_57] : memref<25088x256xf32, #tpu.memory_space<hbm>> -> memref<112x256xf32, #tpu.memory_space<hbm>>
      %dma_start3A_59 = arith.constant 0 : i32
      %dma_start3A_60 = tpu.memref_slice %arg4[%add3A_50, %dma_start3A_59] : memref<25088x256xf32, #tpu.memory_space<hbm>> -> memref<112x256xf32, #tpu.memory_space<hbm>>
      tpu.enqueue_dma source(%arg6 : memref<112x256xf32, #tpu.memory_space<vmem>>) target(%dma_start3A_60 : memref<112x256xf32, #tpu.memory_space<hbm>>) target_semaphore(%run_scoped3A : memref<!tpu.dma_semaphore, #tpu.memory_space<semaphore_mem>>)
      %dma_wait3A_61 = arith.constant 0 : i32
      %dma_wait3A_62 = tpu.memref_slice %arg4[%add3A_50, %dma_wait3A_61] : memref<25088x256xf32, #tpu.memory_space<hbm>> -> memref<112x256xf32, #tpu.memory_space<hbm>>
      %dma_wait3A_63 = arith.constant 0 : i32
      %dma_wait3A_64 = tpu.memref_slice %arg4[%add3A_50, %dma_wait3A_63] : memref<25088x256xf32, #tpu.memory_space<hbm>> -> memref<112x256xf32, #tpu.memory_space<hbm>>
      tpu.wait_dma2 semaphore(%run_scoped3A : memref<!tpu.dma_semaphore, #tpu.memory_space<semaphore_mem>>) src(%arg6 : memref<112x256xf32, #tpu.memory_space<vmem>>) dst(%dma_wait3A_64 : memref<112x256xf32, #tpu.memory_space<hbm>>)
      tpu.yield
    }) : () -> ()
    return
  }
}

module attributes {stable_mosaic.version = 14 : i64} {
  func.func @_vq_tc_body(%arg0: i32, %arg1: memref<256x256xf32, #tpu.memory_space<vmem>>, %arg2: memref<8192x256xf32, #tpu.memory_space<vmem>>, %arg3: memref<1x1x256xi32, #tpu.memory_space<vmem>>, %arg4: memref<1x1xf32, #tpu.memory_space<vmem>>, %arg5: memref<1x1xf32, #tpu.memory_space<vmem>>, %arg6: memref<1x8192xf32, #tpu.memory_space<vmem>>, %arg7: memref<1x8192xf32, #tpu.memory_space<vmem>>, %arg8: memref<1x1xf32, #tpu.memory_space<vmem>>, %arg9: memref<8192x256xf32, #tpu.memory_space<vmem>>) attributes {dimension_semantics = [#tpu.dimension_semantics<arbitrary>], iteration_bounds = array<i64: 98>, scalar_prefetch = 0 : i64, scratch_operands = 4 : i64, tpu.core_type = #tpu.core_type<tc>, window_params = [{transform_indices = @transform_0, window_bounds = array<i64: 256, 256>}, {pipeline_mode = #tpu.pipeline_mode<synchronous>, transform_indices = @transform_1, window_bounds = array<i64: 8192, 256>}, {transform_indices = @transform_2, window_bounds = array<i64: 1, 1, 256>}, {pipeline_mode = #tpu.pipeline_mode<synchronous>, transform_indices = @transform_3, window_bounds = array<i64: 1, 1>}, {pipeline_mode = #tpu.pipeline_mode<synchronous>, transform_indices = @transform_4, window_bounds = array<i64: 1, 1>}]} {
    %eq3A = arith.constant 0 : i32
    %eq3A_0 = arith.cmpi eq, %arg0, %eq3A : i32
    %convert_element_type3A = arith.extui %eq3A_0 : i1 to i32
    %cond3A = arith.constant 0 : i32
    %cond3A_1 = arith.cmpi ne, %convert_element_type3A, %cond3A : i32
    scf.if %cond3A_1 {
      %get3A_134 = arith.constant 0 : index
      %get3A_135 = arith.constant 0 : index
      %get3A_136 = vector.load %arg2[%get3A_134, %get3A_135] : memref<8192x256xf32, #tpu.memory_space<vmem>>, vector<8192x256xf32>
      %mul3A_137 = arith.mulf %get3A_136, %get3A_136 : vector<8192x256xf32>
      %reduce_sum3A_138 = arith.constant dense<0.000000e+00> : vector<8192xf32>
      %reduce_sum3A_139 = vector.multi_reduction <add>, %mul3A_137, %reduce_sum3A_138 [1] : vector<8192x256xf32> to vector<8192xf32>
      %broadcast_in_dim3A_140 = vector.shape_cast %reduce_sum3A_139 : vector<8192xf32> to vector<1x8192xf32>
      %swap3A_141 = arith.constant 0 : index
      %swap3A_142 = arith.constant 0 : index
      %swap3A_143 = vector.load %arg6[%swap3A_141, %swap3A_142] : memref<1x8192xf32, #tpu.memory_space<vmem>>, vector<1x8192xf32>
      tpu.vector_store %arg6[%swap3A_141, %swap3A_142], %broadcast_in_dim3A_140 {strides = array<i32>} : memref<1x8192xf32, #tpu.memory_space<vmem>>, vector<1x8192xf32>,
      %broadcast_in_dim3A_144 = arith.constant 0.000000e+00 : f32
      %broadcast_in_dim3A_145 = vector.broadcast %broadcast_in_dim3A_144 : f32 to vector<1x8192xf32>
      %swap3A_146 = arith.constant 0 : index
      %swap3A_147 = arith.constant 0 : index
      %swap3A_148 = vector.load %arg7[%swap3A_146, %swap3A_147] : memref<1x8192xf32, #tpu.memory_space<vmem>>, vector<1x8192xf32>
      tpu.vector_store %arg7[%swap3A_146, %swap3A_147], %broadcast_in_dim3A_145 {strides = array<i32>} : memref<1x8192xf32, #tpu.memory_space<vmem>>, vector<1x8192xf32>,
      %broadcast_in_dim3A_149 = arith.constant 0.000000e+00 : f32
      %broadcast_in_dim3A_150 = vector.broadcast %broadcast_in_dim3A_149 : f32 to vector<1x1xf32>
      %swap3A_151 = arith.constant 0 : index
      %swap3A_152 = arith.constant 0 : index
      %swap3A_153 = vector.load %arg8[%swap3A_151, %swap3A_152] : memref<1x1xf32, #tpu.memory_space<vmem>>, vector<1x1xf32>
      tpu.vector_store %arg8[%swap3A_151, %swap3A_152], %broadcast_in_dim3A_150 {strides = array<i32>} : memref<1x1xf32, #tpu.memory_space<vmem>>, vector<1x1xf32>,
      %mul3A_154 = arith.constant -2.000000e+00 : f32
      %mul3A_155 = vector.broadcast %mul3A_154 : f32 to vector<8192x256xf32>
      %mul3A_156 = arith.mulf %get3A_136, %mul3A_155 : vector<8192x256xf32>
      %swap3A_157 = arith.constant 0 : index
      %swap3A_158 = arith.constant 0 : index
      %swap3A_159 = vector.load %arg9[%swap3A_157, %swap3A_158] : memref<8192x256xf32, #tpu.memory_space<vmem>>, vector<8192x256xf32>
      tpu.vector_store %arg9[%swap3A_157, %swap3A_158], %mul3A_156 {strides = array<i32>} : memref<8192x256xf32, #tpu.memory_space<vmem>>, vector<8192x256xf32>,
    } else {
    }
    %get3A = arith.constant 0 : index
    %get3A_2 = arith.constant 0 : index
    %get3A_3 = vector.load %arg1[%get3A, %get3A_2] : memref<256x256xf32, #tpu.memory_space<vmem>>, vector<256x256xf32>
    %get3A_4 = arith.constant 0 : index
    %get3A_5 = arith.constant 0 : index
    %get3A_6 = vector.load %arg9[%get3A_4, %get3A_5] : memref<8192x256xf32, #tpu.memory_space<vmem>>, vector<8192x256xf32>
    %dot_general3A = arith.constant dense<0.000000e+00> : vector<256x8192xf32>
    %dot_general3A_7 = tpu.matmul %get3A_3, %get3A_6, %dot_general3A {dimension_numbers = #tpu.dot_dimension_numbers<[1], [1], [0], [0], [0, 0, 1, 0], [], []>, transpose_lhs_hint = false} : vector<256x256xf32>, vector<8192x256xf32>, vector<256x8192xf32> -> vector<256x8192xf32>
    %mul3A = arith.mulf %get3A_3, %get3A_3 : vector<256x256xf32>
    %reduce_sum3A = arith.constant dense<0.000000e+00> : vector<256xf32>
    %reduce_sum3A_8 = vector.multi_reduction <add>, %mul3A, %reduce_sum3A [1] : vector<256x256xf32> to vector<256xf32>
    %broadcast_in_dim3A = vector.shape_cast %reduce_sum3A_8 : vector<256xf32> to vector<256x1xf32>
    %add3A = vector.broadcast %broadcast_in_dim3A : vector<256x1xf32> to vector<256x8192xf32>
    %add3A_9 = arith.addf %add3A, %dot_general3A_7 : vector<256x8192xf32>
    %get3A_10 = arith.constant 0 : index
    %get3A_11 = arith.constant 0 : index
    %get3A_12 = vector.load %arg6[%get3A_10, %get3A_11] : memref<1x8192xf32, #tpu.memory_space<vmem>>, vector<1x8192xf32>
    %add3A_13 = vector.broadcast %get3A_12 : vector<1x8192xf32> to vector<256x8192xf32>
    %add3A_14 = arith.addf %add3A_9, %add3A_13 : vector<256x8192xf32>
    %iota3A = tpu.iota {dimensions = array<i32: 1>} : vector<256x8192xi32>
    %slice3A = vector.extract_strided_slice %add3A_14 {offsets = [0, 0], sizes = [256, 2048], strides = [1, 1]} : vector<256x8192xf32> to vector<256x2048xf32>
    %reduce_min3A = arith.constant dense<0x7F800000> : vector<256xf32>
    %reduce_min3A_15 = vector.multi_reduction <minimumf>, %slice3A, %reduce_min3A [1] : vector<256x2048xf32> to vector<256xf32>
    %broadcast_in_dim3A_16 = vector.shape_cast %reduce_min3A_15 : vector<256xf32> to vector<256x1xf32>
    %slice3A_17 = vector.extract_strided_slice %add3A_14 {offsets = [0, 2048], sizes = [256, 2048], strides = [1, 1]} : vector<256x8192xf32> to vector<256x2048xf32>
    %reduce_min3A_18 = arith.constant dense<0x7F800000> : vector<256xf32>
    %reduce_min3A_19 = vector.multi_reduction <minimumf>, %slice3A_17, %reduce_min3A_18 [1] : vector<256x2048xf32> to vector<256xf32>
    %broadcast_in_dim3A_20 = vector.shape_cast %reduce_min3A_19 : vector<256xf32> to vector<256x1xf32>
    %slice3A_21 = vector.extract_strided_slice %add3A_14 {offsets = [0, 4096], sizes = [256, 2048], strides = [1, 1]} : vector<256x8192xf32> to vector<256x2048xf32>
    %reduce_min3A_22 = arith.constant dense<0x7F800000> : vector<256xf32>
    %reduce_min3A_23 = vector.multi_reduction <minimumf>, %slice3A_21, %reduce_min3A_22 [1] : vector<256x2048xf32> to vector<256xf32>
    %broadcast_in_dim3A_24 = vector.shape_cast %reduce_min3A_23 : vector<256xf32> to vector<256x1xf32>
    %slice3A_25 = vector.extract_strided_slice %add3A_14 {offsets = [0, 6144], sizes = [256, 2048], strides = [1, 1]} : vector<256x8192xf32> to vector<256x2048xf32>
    %reduce_min3A_26 = arith.constant dense<0x7F800000> : vector<256xf32>
    %reduce_min3A_27 = vector.multi_reduction <minimumf>, %slice3A_25, %reduce_min3A_26 [1] : vector<256x2048xf32> to vector<256xf32>
    %broadcast_in_dim3A_28 = vector.shape_cast %reduce_min3A_27 : vector<256xf32> to vector<256x1xf32>
    %bitcast_convert_type3A = tpu.bitcast %broadcast_in_dim3A_16 : vector<256x1xf32> -> vector<256x1xi32>
    %add3A_29 = arith.constant 32767 : i32
    %add3A_30 = vector.broadcast %add3A_29 : i32 to vector<256x1xi32>
    %add3A_31 = arith.addi %bitcast_convert_type3A, %add3A_30 : vector<256x1xi32>
    %shift_right_arithmetic3A = arith.constant 16 : i32
    %shift_right_arithmetic3A_32 = vector.broadcast %shift_right_arithmetic3A : i32 to vector<256x1xi32>
    %shift_right_arithmetic3A_33 = arith.shrsi %bitcast_convert_type3A, %shift_right_arithmetic3A_32 : vector<256x1xi32>
    %and3A = arith.constant 1 : i32
    %and3A_34 = vector.broadcast %and3A : i32 to vector<256x1xi32>
    %and3A_35 = arith.andi %shift_right_arithmetic3A_33, %and3A_34 : vector<256x1xi32>
    %add3A_36 = arith.addi %add3A_31, %and3A_35 : vector<256x1xi32>
    %and3A_37 = arith.constant -65536 : i32
    %and3A_38 = vector.broadcast %and3A_37 : i32 to vector<256x1xi32>
    %and3A_39 = arith.andi %add3A_36, %and3A_38 : vector<256x1xi32>
    %bitcast_convert_type3A_40 = tpu.bitcast %and3A_39 : vector<256x1xi32> -> vector<256x1xf32>
    %broadcast_in_dim3A_41 = arith.constant 0 : i32
    %broadcast_in_dim3A_42 = vector.broadcast %broadcast_in_dim3A_41 : i32 to vector<256x1xi32>
    %le3A = arith.cmpf ole, %bitcast_convert_type3A_40, %broadcast_in_dim3A_20 : vector<256x1xf32>
    %jit3A = arith.constant 1 : i32
    %broadcast_in_dim3A_43 = vector.broadcast %jit3A : i32 to vector<256x1xi32>
    %select_n3A = arith.select %le3A, %broadcast_in_dim3A_42, %broadcast_in_dim3A_43 : vector<256x1xi1>, vector<256x1xi32>
    %select_n3A_44 = arith.select %le3A, %broadcast_in_dim3A_16, %broadcast_in_dim3A_20 : vector<256x1xi1>, vector<256x1xf32>
    %bitcast_convert_type3A_45 = tpu.bitcast %broadcast_in_dim3A_20 : vector<256x1xf32> -> vector<256x1xi32>
    %add3A_46 = arith.constant 32767 : i32
    %add3A_47 = vector.broadcast %add3A_46 : i32 to vector<256x1xi32>
    %add3A_48 = arith.addi %bitcast_convert_type3A_45, %add3A_47 : vector<256x1xi32>
    %shift_right_arithmetic3A_49 = arith.constant 16 : i32
    %shift_right_arithmetic3A_50 = vector.broadcast %shift_right_arithmetic3A_49 : i32 to vector<256x1xi32>
    %shift_right_arithmetic3A_51 = arith.shrsi %bitcast_convert_type3A_45, %shift_right_arithmetic3A_50 : vector<256x1xi32>
    %and3A_52 = arith.constant 1 : i32
    %and3A_53 = vector.broadcast %and3A_52 : i32 to vector<256x1xi32>
    %and3A_54 = arith.andi %shift_right_arithmetic3A_51, %and3A_53 : vector<256x1xi32>
    %add3A_55 = arith.addi %add3A_48, %and3A_54 : vector<256x1xi32>
    %and3A_56 = arith.constant -65536 : i32
    %and3A_57 = vector.broadcast %and3A_56 : i32 to vector<256x1xi32>
    %and3A_58 = arith.andi %add3A_55, %and3A_57 : vector<256x1xi32>
    %bitcast_convert_type3A_59 = tpu.bitcast %and3A_58 : vector<256x1xi32> -> vector<256x1xf32>
    %select_n3A_60 = arith.select %le3A, %bitcast_convert_type3A_40, %bitcast_convert_type3A_59 : vector<256x1xi1>, vector<256x1xf32>
    %le3A_61 = arith.cmpf ole, %select_n3A_60, %broadcast_in_dim3A_24 : vector<256x1xf32>
    %jit3A_62 = arith.constant 2 : i32
    %broadcast_in_dim3A_63 = vector.broadcast %jit3A_62 : i32 to vector<256x1xi32>
    %select_n3A_64 = arith.select %le3A_61, %select_n3A, %broadcast_in_dim3A_63 : vector<256x1xi1>, vector<256x1xi32>
    %select_n3A_65 = arith.select %le3A_61, %select_n3A_44, %broadcast_in_dim3A_24 : vector<256x1xi1>, vector<256x1xf32>
    %bitcast_convert_type3A_66 = tpu.bitcast %broadcast_in_dim3A_24 : vector<256x1xf32> -> vector<256x1xi32>
    %add3A_67 = arith.constant 32767 : i32
    %add3A_68 = vector.broadcast %add3A_67 : i32 to vector<256x1xi32>
    %add3A_69 = arith.addi %bitcast_convert_type3A_66, %add3A_68 : vector<256x1xi32>
    %shift_right_arithmetic3A_70 = arith.constant 16 : i32
    %shift_right_arithmetic3A_71 = vector.broadcast %shift_right_arithmetic3A_70 : i32 to vector<256x1xi32>
    %shift_right_arithmetic3A_72 = arith.shrsi %bitcast_convert_type3A_66, %shift_right_arithmetic3A_71 : vector<256x1xi32>
    %and3A_73 = arith.constant 1 : i32
    %and3A_74 = vector.broadcast %and3A_73 : i32 to vector<256x1xi32>
    %and3A_75 = arith.andi %shift_right_arithmetic3A_72, %and3A_74 : vector<256x1xi32>
    %add3A_76 = arith.addi %add3A_69, %and3A_75 : vector<256x1xi32>
    %and3A_77 = arith.constant -65536 : i32
    %and3A_78 = vector.broadcast %and3A_77 : i32 to vector<256x1xi32>
    %and3A_79 = arith.andi %add3A_76, %and3A_78 : vector<256x1xi32>
    %bitcast_convert_type3A_80 = tpu.bitcast %and3A_79 : vector<256x1xi32> -> vector<256x1xf32>
    %select_n3A_81 = arith.select %le3A_61, %select_n3A_60, %bitcast_convert_type3A_80 : vector<256x1xi1>, vector<256x1xf32>
    %le3A_82 = arith.cmpf ole, %select_n3A_81, %broadcast_in_dim3A_28 : vector<256x1xf32>
    %jit3A_83 = arith.constant 3 : i32
    %broadcast_in_dim3A_84 = vector.broadcast %jit3A_83 : i32 to vector<256x1xi32>
    %select_n3A_85 = arith.select %le3A_82, %select_n3A_64, %broadcast_in_dim3A_84 : vector<256x1xi1>, vector<256x1xi32>
    %select_n3A_86 = arith.select %le3A_82, %select_n3A_65, %broadcast_in_dim3A_28 : vector<256x1xi1>, vector<256x1xf32>
    %eq3A_87 = vector.broadcast %select_n3A_86 : vector<256x1xf32> to vector<256x8192xf32>
    %eq3A_88 = arith.cmpf oeq, %add3A_14, %eq3A_87 : vector<256x8192xf32>
    %shift_right_arithmetic3A_89 = arith.constant 11 : i32
    %shift_right_arithmetic3A_90 = vector.broadcast %shift_right_arithmetic3A_89 : i32 to vector<256x8192xi32>
    %shift_right_arithmetic3A_91 = arith.shrsi %iota3A, %shift_right_arithmetic3A_90 : vector<256x8192xi32>
    %eq3A_92 = vector.broadcast %select_n3A_85 : vector<256x1xi32> to vector<256x8192xi32>
    %eq3A_93 = arith.cmpi eq, %shift_right_arithmetic3A_91, %eq3A_92 : vector<256x8192xi32>
    %and3A_94 = arith.andi %eq3A_88, %eq3A_93 : vector<256x8192xi1>
    %jit3A_95 = arith.constant 8192 : i32
    %broadcast_in_dim3A_96 = vector.broadcast %jit3A_95 : i32 to vector<256x8192xi32>
    %select_n3A_97 = arith.select %and3A_94, %iota3A, %broadcast_in_dim3A_96 : vector<256x8192xi1>, vector<256x8192xi32>
    %reduce_min3A_98 = arith.constant dense<2147483647> : vector<256xi32>
    %reduce_min3A_99 = vector.multi_reduction <minsi>, %select_n3A_97, %reduce_min3A_98 [1] : vector<256x8192xi32> to vector<256xi32>
    %broadcast_in_dim3A_100 = vector.shape_cast %reduce_min3A_99 : vector<256xi32> to vector<1x1x256xi32>
    %swap3A = arith.constant 0 : index
    %swap3A_101 = arith.constant 0 : index
    %swap3A_102 = arith.constant 0 : index
    %swap3A_103 = vector.load %arg3[%swap3A, %swap3A_101, %swap3A_102] : memref<1x1x256xi32, #tpu.memory_space<vmem>>, vector<1x1x256xi32>
    tpu.vector_store %arg3[%swap3A, %swap3A_101, %swap3A_102], %broadcast_in_dim3A_100 {strides = array<i32>} : memref<1x1x256xi32, #tpu.memory_space<vmem>>, vector<1x1x256xi32>,
    %get3A_104 = arith.constant 0 : index
    %get3A_105 = arith.constant 0 : index
    %get3A_106 = vector.load %arg7[%get3A_104, %get3A_105] : memref<1x8192xf32, #tpu.memory_space<vmem>>, vector<1x8192xf32>
    %convert_element_type3A_107 = arith.extui %and3A_94 : vector<256x8192xi1> to vector<256x8192xi32>
    %convert_element_type3A_108 = arith.sitofp %convert_element_type3A_107 : vector<256x8192xi32> to vector<256x8192xf32>
    %reduce_sum3A_109 = arith.constant dense<0.000000e+00> : vector<8192xf32>
    %reduce_sum3A_110 = vector.multi_reduction <add>, %convert_element_type3A_108, %reduce_sum3A_109 [0] : vector<256x8192xf32> to vector<8192xf32>
    %broadcast_in_dim3A_111 = vector.shape_cast %reduce_sum3A_110 : vector<8192xf32> to vector<1x8192xf32>
    %add3A_112 = arith.addf %get3A_106, %broadcast_in_dim3A_111 : vector<1x8192xf32>
    %swap3A_113 = arith.constant 0 : index
    %swap3A_114 = arith.constant 0 : index
    %swap3A_115 = vector.load %arg7[%swap3A_113, %swap3A_114] : memref<1x8192xf32, #tpu.memory_space<vmem>>, vector<1x8192xf32>
    tpu.vector_store %arg7[%swap3A_113, %swap3A_114], %add3A_112 {strides = array<i32>} : memref<1x8192xf32, #tpu.memory_space<vmem>>, vector<1x8192xf32>,
    %get3A_116 = arith.constant 0 : index
    %get3A_117 = arith.constant 0 : index
    %get3A_118 = vector.load %arg8[%get3A_116, %get3A_117] : memref<1x1xf32, #tpu.memory_space<vmem>>, vector<1x1xf32>
    %reduce_sum3A_119 = vector.shape_cast %select_n3A_86 : vector<256x1xf32> to vector<1x256x1xf32>
    %reduce_sum3A_120 = arith.constant dense<0.000000e+00> : vector<1xf32>
    %reduce_sum3A_121 = vector.multi_reduction <add>, %reduce_sum3A_119, %reduce_sum3A_120 [1, 2] : vector<1x256x1xf32> to vector<1xf32>
    %reduce_sum3A_122 = vector.shape_cast %reduce_sum3A_121 : vector<1xf32> to vector<1x1x1xf32>
    %reduce_sum3A_123 = vector.extract %reduce_sum3A_122[0, 0, 0] : f32 from vector<1x1x1xf32>
    %broadcast_in_dim3A_124 = vector.broadcast %reduce_sum3A_123 : f32 to vector<1x1xf32>
    %add3A_125 = arith.addf %get3A_118, %broadcast_in_dim3A_124 : vector<1x1xf32>
    %swap3A_126 = arith.constant 0 : index
    %swap3A_127 = arith.constant 0 : index
    %swap3A_128 = vector.load %arg8[%swap3A_126, %swap3A_127] : memref<1x1xf32, #tpu.memory_space<vmem>>, vector<1x1xf32>
    tpu.vector_store %arg8[%swap3A_126, %swap3A_127], %add3A_125 {strides = array<i32>} : memref<1x1xf32, #tpu.memory_space<vmem>>, vector<1x1xf32>,
    %eq3A_129 = arith.constant 97 : i32
    %eq3A_130 = arith.cmpi eq, %arg0, %eq3A_129 : i32
    %convert_element_type3A_131 = arith.extui %eq3A_130 : i1 to i32
    %cond3A_132 = arith.constant 0 : i32
    %cond3A_133 = arith.cmpi ne, %convert_element_type3A_131, %cond3A_132 : i32
    scf.if %cond3A_133 {
      %get3A_134 = arith.constant 0 : index
      %get3A_135 = arith.constant 0 : index
      %get3A_136 = vector.load %arg7[%get3A_134, %get3A_135] : memref<1x8192xf32, #tpu.memory_space<vmem>>, vector<1x8192xf32>
      %mul3A_137 = arith.constant 3.98596931E-5 : f32
      %mul3A_138 = vector.broadcast %mul3A_137 : f32 to vector<1x8192xf32>
      %mul3A_139 = arith.mulf %get3A_136, %mul3A_138 : vector<1x8192xf32>
      %add3A_140 = arith.constant 1.000000e-10 : f32
      %add3A_141 = vector.broadcast %add3A_140 : f32 to vector<1x8192xf32>
      %add3A_142 = arith.addf %mul3A_139, %add3A_141 : vector<1x8192xf32>
      %log3A = math.log %add3A_142 : vector<1x8192xf32>
      %mul3A_143 = arith.mulf %mul3A_139, %log3A : vector<1x8192xf32>
      %reduce_sum3A_144 = vector.shape_cast %mul3A_143 : vector<1x8192xf32> to vector<1x1x8192xf32>
      %reduce_sum3A_145 = arith.constant dense<0.000000e+00> : vector<1xf32>
      %reduce_sum3A_146 = vector.multi_reduction <add>, %reduce_sum3A_144, %reduce_sum3A_145 [1, 2] : vector<1x1x8192xf32> to vector<1xf32>
      %reduce_sum3A_147 = vector.shape_cast %reduce_sum3A_146 : vector<1xf32> to vector<1x1x1xf32>
      %reduce_sum3A_148 = vector.extract %reduce_sum3A_147[0, 0, 0] : f32 from vector<1x1x1xf32>
      %broadcast_in_dim3A_149 = vector.broadcast %reduce_sum3A_148 : f32 to vector<1x1xf32>
      %neg3A = arith.constant 0.000000e+00 : f32
      %neg3A_150 = vector.broadcast %neg3A : f32 to vector<1x1xf32>
      %neg3A_151 = arith.subf %neg3A_150, %broadcast_in_dim3A_149 : vector<1x1xf32>
      %exp3A = math.exp %neg3A_151 : vector<1x1xf32>
      %swap3A_152 = arith.constant 0 : index
      %swap3A_153 = arith.constant 0 : index
      %swap3A_154 = vector.load %arg4[%swap3A_152, %swap3A_153] : memref<1x1xf32, #tpu.memory_space<vmem>>, vector<1x1xf32>
      tpu.vector_store %arg4[%swap3A_152, %swap3A_153], %exp3A {strides = array<i32>} : memref<1x1xf32, #tpu.memory_space<vmem>>, vector<1x1xf32>,
      %get3A_155 = arith.constant 0 : index
      %get3A_156 = arith.constant 0 : index
      %get3A_157 = vector.load %arg8[%get3A_155, %get3A_156] : memref<1x1xf32, #tpu.memory_space<vmem>>, vector<1x1xf32>
      %mul3A_158 = arith.constant 1.55701926E-7 : f32
      %mul3A_159 = vector.broadcast %mul3A_158 : f32 to vector<1x1xf32>
      %mul3A_160 = arith.mulf %get3A_157, %mul3A_159 : vector<1x1xf32>
      %mul3A_161 = arith.constant 2.500000e-01 : f32
      %mul3A_162 = vector.broadcast %mul3A_161 : f32 to vector<1x1xf32>
      %mul3A_163 = arith.mulf %mul3A_162, %mul3A_160 : vector<1x1xf32>
      %swap3A_164 = arith.constant 0 : index
      %swap3A_165 = arith.constant 0 : index
      %swap3A_166 = vector.load %arg5[%swap3A_164, %swap3A_165] : memref<1x1xf32, #tpu.memory_space<vmem>>, vector<1x1xf32>
      tpu.vector_store %arg5[%swap3A_164, %swap3A_165], %mul3A_163 {strides = array<i32>} : memref<1x1xf32, #tpu.memory_space<vmem>>, vector<1x1xf32>,
    } else {
    }
    return
  }
  func.func @transform_0(%arg0: i32) -> (i32, i32) {
    %c0_i32 = arith.constant 0 : i32
    %c0_i32_0 = arith.constant 0 : i32
    return %arg0, %c0_i32 : i32, i32
  }
  func.func @transform_1(%arg0: i32) -> (i32, i32) {
    %c0_i32 = arith.constant 0 : i32
    %c0_i32_0 = arith.constant 0 : i32
    %c0_i32_1 = arith.constant 0 : i32
    return %c0_i32, %c0_i32_0 : i32, i32
  }
  func.func @transform_2(%arg0: i32) -> (i32, i32, i32) {
    %c0_i32 = arith.constant 0 : i32
    %c0_i32_0 = arith.constant 0 : i32
    %c0_i32_1 = arith.constant 0 : i32
    return %arg0, %c0_i32, %c0_i32_0 : i32, i32, i32
  }
  func.func @transform_3(%arg0: i32) -> (i32, i32) {
    %c0_i32 = arith.constant 0 : i32
    %c0_i32_0 = arith.constant 0 : i32
    %c0_i32_1 = arith.constant 0 : i32
    return %c0_i32, %c0_i32_0 : i32, i32
  }
  func.func @transform_4(%arg0: i32) -> (i32, i32) {
    %c0_i32 = arith.constant 0 : i32
    %c0_i32_0 = arith.constant 0 : i32
    %c0_i32_1 = arith.constant 0 : i32
    return %c0_i32, %c0_i32_0 : i32, i32
  }
}

</mosaic_0001>

<sc_bundles>
// kernel: kernel.4.cloned.1.call-start
scs
__scs_entry_jumppad:
0x0: {  	(pc) =	sbr.rel $0x88, $3  }
0x1: {  	(tag) =	ssettag $0x0;
	lr =	simm.s32 $0x1  }
0x2: {  	[smem:$0x3F93] =	sst lr;
	_ =	strace $0xD0000000  }
0x3: {  	_ = 	snop  }
0x4: {  	_ = 	snop  }
0x5: {  	_ = 	snop  }
0x6: {  	_ = 	snop  }
0x7: {  	_ = 	snop  }
__scs_overlays_trampoline_lowered:
0x8: {  	[smem:$0x3FA2] =	sst s0  }
0x9: {  	[smem:$0x3FA3] =	sst s1  }
0xa: {  	[smem:$0x3FA4] =	sst s2  }
0xb: {  	[smem:$0x3FA5] =	sst s3  }
0xc: {  	[smem:$0x3FA6] =	sst s4  }
0xd: {  	[smem:$0x3FA7] =	sst s5  }
0xe: {  	[smem:$0x3FA8] =	sst s6  }
0xf: {  	[smem:$0x3FA9] =	sst s7  }
0x10: {  	[smem:$0x3FAA] =	sst s8  }
0x11: {  	[smem:$0x3FAB] =	sst s9;
	s0 =	simm.s32 @!p0 $0x0  }
0x12: {  	s1 =	sld [smem:$0x3F91];
	s0 =	simm.s32 @p0 $0x1  }
0x13: {  	[smem:$0x3FAC] =	sst s0;
	s0 =	simm.s32 @!p1 $0x0  }
0x14: {  	s2 =	sld [smem:$0x3F90];
	s0 =	simm.s32 @p1 $0x1  }
0x15: {  	[smem:$0x3FAD] =	sst s0;
	s0 =	simm.s32 @!p2 $0x0  }
0x16: {  	s3 =	sld [smem:$0x3FDB];
	s0 =	simm.s32 @p2 $0x1  }
0x17: {  	s4 =	simm.s32 $0x1BF5;
	[smem:$0x3FAF] =	sst s0  }
0x18: {  	s0 =	sld [smem:$0x3F92];
	_ =	swait.ge [sflag:s4], $0x0  }
0x19: {  	s7 =	sld [smem:$0x3F93]  }
0x1a: {  	s8 =	sadd.s32 $0xFFFFE003, lr  }
0x1b: {  	s9 =	sadd.s32 $0xFFFFFEF7, lr;
	s5 =	simm.s32 $0xFFFFFFFF;
	p2 =	slt.u32 s8, $0xFFFFF086  }
0x1c: {  	p1 =	slt.u32 s9, $0xF7A;
	s5 =	simm.s32 @!p2 $0x0  }
0x1d: {  	s5 =	simm.s32 @p1 $0x1;
	p0 =	seq.s32 s7, s2  }
0x1e: {  	s7 =	smul.u32 @!p0 $0xF7A, s2;
	p2 =	seq.s32 @!p0 s5, $0x0  }
0x1f: {  	s9 =	smul.u32 $0xF7A, s1;
	s8 =	simm.s32 @!p0 $0x1BF5;
	p2 =	por !p2, p0  }
0x20: {  	[sflag:s8] =	ssyncset.s32 @!p0 $0xFFFFF086;
	s6 =	sadd.s32 @!p0 s3, s7;
	s7 =	simm.s32 @!p0 $0x108  }
0x21: {  	s3 =	sadd.s32 s3, s9;
	s6 =	sadd.s32 @!p0 $0x88, s6;
	s7 =	simm.s32 @p2 $0x1082  }
0x22: {  	[simem:s7], [sflag:s8] =	dma.local @!p0 [hbm:s6], $0xF7A  }
0x23: {  	s9 =	sor.u32 $0xD0000000, s2;
	s6 =	simm.s32 $0x108;
	_ =	swait.ge @!p0 [sflag:s8], $0x0  }
0x24: {  	s3 =	sadd.s32 $0x88, s3;
	s6 =	simm.s32 @!p1 $0x1082;
	[sflag:s4] =	ssyncset.s32 $0xFFFFF086  }
0x25: {  	[simem:s6], [sflag:s4] =	dma.local [hbm:s3], $0xF7A  }
0x26: {  	[smem:$0x3F93] =	sst s1;
	(tag) =	ssettag s2;
	_ =	strace s9  }
0x27: {  	s1 =	sld [smem:$0x3FA3]  }
0x28: {  	s2 =	sld [smem:$0x3FA4]  }
0x29: {  	s4 =	sld [smem:$0x3FA6]  }
0x2a: {  	p0 =	seq.s32 s5, $0x0;
	s5 =	sld [smem:$0x3FA7]  }
0x2b: {  	s6 =	sld [smem:$0x3FA8]  }
0x2c: {  	s7 =	sld [smem:$0x3FA9]  }
0x2d: {  	s3 =	simm.s32 $0x108;
	s8 =	sld [smem:$0x3FAA]  }
0x2e: {  	s3 =	simm.s32 @!p0 $0x1082;
	s9 =	sld [smem:$0x3FAB]  }
0x2f: {  	lr =	sadd.s32 s0, s3;
	s0 =	sld [smem:$0x3FA2]  }
0x30: {  	s3 =	sld [smem:$0x3FA5]  }
0x31: {  	[smem:$0x3FAE] =	sst s10  }
0x32: {  	s10 =	sld [smem:$0x3FAC];
	_ =	sdelay $0x3  }
0x33: {  	p0 =	seq.s32 s10, $0x1;
	s10 =	sld [smem:$0x3FAE];
	_ =	sdelay $0x3  }
0x34: {  	[smem:$0x3FAE] =	sst s10  }
0x35: {  	s10 =	sld [smem:$0x3FAD];
	_ =	sdelay $0x3  }
0x36: {  	p1 =	seq.s32 s10, $0x1;
	s10 =	sld [smem:$0x3FAE];
	_ =	sdelay $0x3  }
0x37: {  	[smem:$0x3FAE] =	sst s10  }
0x38: {  	s10 =	sld [smem:$0x3FAF]  }
0x39: {  	_ = 	snop;
	(pc) =	sbr.ind lr, $3  }
0x3a: {  	_ = 	snop  }
0x3b: {  	_ = 	snop  }
0x3c: {  	p2 =	seq.s32 s10, $0x1;
	s10 =	sld [smem:$0x3FAE]  }
0x3d: {  	_ =	shalt  }
0x3e: {  	_ =	shalt  }
0x3f: {  	_ =	shalt  }
0x40: {  	_ =	shalt  }
0x41: {  	_ =	shalt  }
0x42: {  	_ =	shalt  }
0x43: {  	_ =	shalt  }
0x44: {  	_ =	shalt  }
0x45: {  	_ =	shalt  }
0x46: {  	_ =	shalt  }
0x47: {  	_ =	shalt  }
0x48: {  	_ =	shalt  }
0x49: {  	_ =	shalt  }
0x4a: {  	_ =	shalt  }
0x4b: {  	_ =	shalt  }
0x4c: {  	_ =	shalt  }
0x4d: {  	_ =	shalt  }
0x4e: {  	_ =	shalt  }
0x4f: {  	_ =	shalt  }
0x50: {  	_ =	shalt  }
0x51: {  	_ =	shalt  }
0x52: {  	_ =	shalt  }
0x53: {  	_ =	shalt  }
0x54: {  	_ =	shalt  }
0x55: {  	_ =	shalt  }
0x56: {  	_ =	shalt  }
0x57: {  	_ =	shalt  }
0x58: {  	_ =	shalt  }
0x59: {  	_ =	shalt  }
0x5a: {  	_ =	shalt  }
0x5b: {  	_ =	shalt  }
0x5c: {  	_ =	shalt  }
0x5d: {  	_ =	shalt  }
0x5e: {  	_ =	shalt  }
0x5f: {  	_ =	shalt  }
0x60: {  	_ =	shalt  }
0x61: {  	_ =	shalt  }
0x62: {  	_ =	shalt  }
0x63: {  	_ =	shalt  }
0x64: {  	_ =	shalt  }
0x65: {  	_ =	shalt  }
0x66: {  	_ =	shalt  }
0x67: {  	_ =	shalt  }
0x68: {  	_ =	shalt  }
0x69: {  	_ =	shalt  }
0x6a: {  	_ =	shalt  }
0x6b: {  	_ =	shalt  }
0x6c: {  	_ =	shalt  }
0x6d: {  	_ =	shalt  }
0x6e: {  	_ =	shalt  }
0x6f: {  	_ =	shalt  }
0x70: {  	_ =	shalt  }
0x71: {  	_ =	shalt  }
0x72: {  	_ =	shalt  }
0x73: {  	_ =	shalt  }
0x74: {  	_ =	shalt  }
0x75: {  	_ =	shalt  }
0x76: {  	_ =	shalt  }
0x77: {  	_ =	shalt  }
0x78: {  	_ =	shalt  }
0x79: {  	_ =	shalt  }
0x7a: {  	_ =	shalt  }
0x7b: {  	_ =	shalt  }
0x7c: {  	_ =	shalt  }
0x7d: {  	_ =	shalt  }
0x7e: {  	_ =	shalt  }
0x7f: {  	_ =	shalt  }
0x80: {  	_ =	shalt  }
0x81: {  	_ =	shalt  }
0x82: {  	_ =	shalt  }
0x83: {  	_ =	shalt  }
0x84: {  	_ =	shalt  }
0x85: {  	_ =	shalt  }
0x86: {  	_ =	shalt  }
0x87: {  	_ =	shalt  }
.Lfunc_end0:
.L_simem_size_0:
called_computation_lowered:
.L_overlay_start_0:
0x88: {  	s2 =	sld [smem:$0x3FD9]  }
0x89: {  	s3 =	sld [smem:$0x3FFE];
	_ =	sdelay $0x1  }
0x8a: {  	s1 =	srdreg.scid  }
0x8b: {  	s0 =	sand.u32 $0x1, s1  }
0x8c: {  	s14 =	sshll.u32 s0, $0xA;
	s2 =	sadd.s32 s3, s2  }
0x8d: {  	s2 =	sadd.s32 s2, s14  }
0x8e: {  	[smem:$0x3FBA] =	sst s2  }
0x8f: {  	_ = 	snop  }
0x90: {  	s2 =	sld [smem:$0x3FD0];
	_ =	sdelay $0x2  }
0x91: {  	s4 =	simm.s32 $0xA;
	s5 =	simm.s32 $0x10;
	s15 =	sld [smem:$0x3FC2]  }
0x92: {  	[smem:s5], [sflag:s4] =	dma.local [hbm:s2], $0x1  }
0x93: {  	_ =	swait.eq [sflag:s4], $0x1  }
0x94: {  	[sflag:s4] =	ssyncset.done $0x0  }
0x95: {  	[sflag:s4] =	ssyncadd.s32 $0xFFFFFFFF  }
0x96: {  	s16 =	sld [smem:$0x10];
	(tm) =	ssettm $0x1  }
0x97: {  	s17 =	sld [smem:$0x3FFB];
	_ =	sdelay $0x3  }
0x98: {  	_ =	strace s17  }
0x99: {  	s4 =	sld [smem:$0x3FFC];
	_ =	sdelay $0x3  }
0x9a: {  	_ =	strace s4  }
0x9b: {  	s4 =	sld [smem:$0x3FFD];
	_ =	sdelay $0x3  }
0x9c: {  	_ =	strace s4  }
0x9d: {  	_ =	strace $0x8FFFFFFF  }
0x9e: {  	s18 =	sld [smem:$0x3FDB];
	_ =	sdelay $0x1  }
0x9f: {  	s19 =	simm.s32 $_scs_section_size  }
0xa0: {  	s6 =	simm.s32 $_size__tile_overlayer_lowered;
	s7 =	simm.s32 $_tile_overlayer_lowered  }
0xa1: {  	s22 =	simm.s32 $0x1BFF;
	s21 =	sshll.u32 s7, $0x1;
	s4 =	sadd.s32 s19, s18  }
0xa2: {  	s8 =	simm.s32 $0x0;
	s20 =	sshll.u32 s6, $0x1;
	s6 =	sadd.s32 s21, s4  }
0xa3: {  	[timem:s8], [sflag:s22] =	dma.local [hbm:s6], s20  }
0xa4: {  	_ =	swait.ge [sflag:s22], s20  }
0xa5: {  	s5 =	ssub.s32 $0x0, s20;
	[sflag:s22] =	ssyncset.done $0x0  }
0xa6: {  	[sflag:s22] =	ssyncadd.s32 s5;
	_ =	sdelay $0x1  }
0xa7: {  	s23 =	simm.s32 $0x1B8B  }
0xa8: {  	_ =	swait.ge [sflag:s23], $0x1  }
0xa9: {  	[sflag:s23] =	ssyncset.done $0x0  }
0xaa: {  	s25 =	simm.s32 $0x1B8E;
	s24 =	sld [smem:$0x3FFE];
	[sflag:s23] =	ssyncadd.s32 $0xFFFFFFFF  }
0xab: {  	s26 =	simm.s32 $execute0_lowered;
	[smem:$0x3FD2] =	sst s25  }
0xac: {  	s6 =	sshll.u32 s26, $0x1;
	_ =	strace $0x80000046;
	[dreg:$0x1] =	wrdreg $0xFFFFFFFF  }
0xad: {  	s28 =	simm.s32 $_size_execute0_lowered;
	s4 =	sadd.s32 s4, s6;
	[dreg:$0x0] =	wrdreg $0x0  }
0xae: {  	s6 =	sshll.u32 s28, $0x1;
	[dreg:$0x2] =	wrdreg s4  }
0xaf: {  	[dreg:$0x3] =	wrdreg s6  }
0xb0: {  	[dreg:$0x4] =	wrdreg $0xC0  }
0xb1: {  	_ =	task [dreg:s8], $0x5FFFF  }
0xb2: {  	[dreg:$0x1] =	wrdreg $0xFFFFFFFF  }
0xb3: {  	[dreg:$0x0] =	wrdreg $0x60  }
0xb4: {  	[dreg:$0x2] =	wrdreg s15  }
0xb5: {  	[dreg:$0x3] =	wrdreg s16  }
0xb6: {  	[dreg:$0x4] =	wrdreg s24  }
0xb7: {  	[dreg:$0x5] =	wrdreg $0x9  }
0xb8: {  	_ =	task.clear_ibuf [dreg:s8], $0x6FFFF;
	_ =	strace $0x90000046  }
0xb9: {  	s29 =	simm.s32 $0x9;
	_ =	strace $0x80000048  }
0xba: {  	_ =	swait.ge [sflag:s29], $0x1  }
0xbb: {  	[sflag:s29] =	ssyncadd.s32 $0xFFFFFFFF  }
0xbc: {  	_ =	strace $0x90000048  }
0xbd: {  	_ =	sfence  }
0xbe: {  	s30 =	sld [smem:$0x0];
	_ =	sdelay $0x2  }
0xbf: {  	s31 =	sshll.u32 s1, $0xD;
	s1 =	sshrl.u32 s1, $0x2  }
0xc0: {  	s3 =	sand.u32 $0x4000, s31;
	s1 =	sadd.s32 s1, s30  }
0xc1: {  	s0 =	sor.u32 s3, s0;
	s1 =	sshll.u32 s1, $0x11  }
0xc2: {  	s0 =	sor.u32 s1, s0  }
0xc3: {  	s0 =	sadd.s32 $0x8F2B, s0  }
0xc4: {  	[sflag:s0] =	ssyncadd.remote.s32 $0x1  }
0xc5: {  	_ =	sfence.sel $0xFFFF  }
0xc6: {  	[dreg:$0x0] =	wrdreg $0xFFFFFFFF;
	(pc) =	sbr.abs _section_cstart, $3  }
0xc7: {  	[dreg:$0x1] =	wrdreg $0xFFFFFFFF  }
0xc8: {  	_ =	task.clear_ibuf [dreg:s8], $0x2FFFF;
	_ =	strace $0x9FFFFFFF  }
0xc9: {  	(tm) =	ssettm $0x7FFFFFFF  }
tec
execute0_lowered:
.L_overlay_start_1:
0x0: {  	(tag) =	ssettag $0x1  }
0x1: {  	s1 =	rddreg [dreg:$0x0]  }
0x2: {  	s2 =	rddreg [dreg:$0x1]  }
0x3: {  	s3 =	srdreg.scid;
	s0 =	stileid.u32  }
0x4: {  	s4 =	rddreg [dreg:$0x2];
	s28 =	simm.s32 $0x5080;
	s29 =	simm.s32 $0x5880  }
0x5: {  	s30 =	simm.s32 $0x6080;
	s5 =	sand.u32 $0x1, s3;
	s6 =	sshll.u32 s0, $0x1  }
0x6: {  	s31 =	simm.s32 $0x6880;
	s3 =	simm.s32 $0x0;
	s6 =	sor.u32 s5, s6  }
0x7: {  	s14 =	sadd.s32 $0xC7A00, s4;
	s10 =	ssub.s32 $0x2, s5;
	s11 =	smul.u32 $0x310, s6  }
0x8: {  	[smem:$0x7FF] =	sst s3;
	s6 =	smul.u32 $0x6200, s6;
	s7 =	sshrl.u32 s10, $0x1  }
0x9: {  	_ =	strace $0x80000047;
	s15 =	ssub.s32 s10, s7;
	s12 =	sshrl.u32 s11, $0x3  }
0xa: {  	s8 =	sadd.s32 $0x70, s11;
	s13 =	sadd.s32 s14, s6;
	s19 =	sadd.s32 $0xE0, s11  }
0xb: {  	s22 =	sadd.s32 $0x150, s11;
	s10 =	sadd.s32 $0x1C0, s11;
	s15 =	smax.u32 s15, $0x1  }
0xc: {  	s5 =	sadd.s32 s2, s12;
	s16 =	sshrl.u32 s8, $0x3;
	[dreg:$0x5] =	wrdreg s13  }
0xd: {  	s18 =	sshll.u32 s8, $0x5;
	s20 =	sshrl.u32 s19, $0x3;
	s21 =	sshll.u32 s19, $0x5  }
0xe: {  	s23 =	sshrl.u32 s22, $0x3;
	s9 =	sshll.u32 s22, $0x5;
	s24 =	sshrl.u32 s10, $0x3  }
0xf: {  	s10 =	sshll.u32 s10, $0x5;
	s12 =	sadd.s32 $0x230, s11;
	s19 =	simm.s32 $0x1080  }
0x10: {  	s22 =	simm.s32 $0x2880;
	[dreg:$0x4] =	wrdreg s5;
	s17 =	sadd.s32 s2, s16  }
0x11: {  	s4 =	sadd.s32 s14, s18;
	s5 =	sadd.s32 s2, s20;
	s6 =	sadd.s32 s14, s21  }
0x12: {  	s7 =	sadd.s32 s2, s23;
	s8 =	sadd.s32 s14, s9;
	s9 =	sadd.s32 s2, s24  }
0x13: {  	s10 =	sadd.s32 s14, s10;
	s13 =	sshrl.u32 s12, $0x3;
	s16 =	sadd.s32 $0x2A0, s11  }
0x14: {  	s12 =	sshll.u32 s12, $0x5;
	s18 =	simm.s32 $0x880;
	s20 =	simm.s32 $0x1880  }
0x15: {  	s21 =	simm.s32 $0x2080;
	s23 =	simm.s32 $0x3080;
	s24 =	simm.s32 $0x3880  }
0x16: {  	[dreg:$0x6] =	wrdreg s17;
	s11 =	sadd.s32 s2, s13;
	s25 =	sshrl.u32 s16, $0x3  }
0x17: {  	v2 =	vlaneseq.u32;
	s12 =	sadd.s32 s14, s12;
	s26 =	sshll.u32 s16, $0x5;
	s16 =	simm.s32 $0x2  }
0x18: {  	vm0 =	vmmov $0xffff;
	v1 =	vshrl.u32 v2, $0x3;
	s17 =	simm.s32 $0x80;
	s13 =	sadd.s32 s2, s25;
	s14 =	sadd.s32 s14, s26  }
0x19: {  	v0 =	vand.u32 $0x7, v2;
	v2 =	vor.u32 $0x8, v2;
	v1 =	vmul.u32 $0x8, v1;
	s25 =	simm.s32 $0x4080;
	s26 =	simm.s32 $0x4880;
	s2 =	simm.s32 $0x1  }
.LBB2_1:
0x1a: {  	s0 =	rddreg [dreg:$0x4]  }
0x1b: {  	[tilespmem:s3], [sflag:$0x2] =	stream.linear.gather [hbm4b:s0+s3], $0x70, $0x38;
	[tilespmem:$0x7080] =	vst v63  }
0x1c: {  	_ =	swait.ge [sflag:s16], $0x70  }
0x1d: {  	[sflag:s16] =	ssyncset.done $0x0  }
0x1e: {  	[sflag:s16] =	ssyncadd.s32 $0xFFFFFF90  }
0x1f: {  	v3 =	vld [tilespmem:$0x0];
	_ =	sdelay $0x4  }
0x20: {  	v4 =	vshll.u32 v3, $0x1  }
0x21: {  	v3 =	vand.u32 $0x7, v3;
	v4 =	vand.u32 $0xFFFFFFF0, v4  }
0x22: {  	v3 =	vor.u32 v3, v4  }
0x23: {  	v4 =	vperm.xlane v3, v0;
	_ =	sdelay $0x1  }
0x24: {  	v3 =	vperm.xlane v3, v2;
	v4 =	vadd.s32 v1, v4;
	_ =	sdelay $0x1  }
0x25: {  	v3 =	vadd.s32 v1, v3;
	_ =	sdelay $0x2  }
0x26: {  	[tilespmem:s17], [sflag:$0x1] =	stream.indirect_vreg.gather [hbm4b:s1+s3], $0x80, v4, vm0, $0xb8;
	[tilespmem:$0x7080] =	vst v63  }
0x27: {  	_ = 	snop  }
0x28: {  	[tilespmem:s18], [sflag:$0x1] =	stream.indirect_vreg.gather [hbm4b:s1+s3], $0x80, v3, vm0, $0xb8;
	[tilespmem:$0x7080] =	vst v63  }
0x29: {  	v3 =	vld [tilespmem:$0x10];
	_ =	sdelay $0x4  }
0x2a: {  	v16 =	vshll.u32 v3, $0x1  }
0x2b: {  	v3 =	vand.u32 $0x7, v3;
	v4 =	vand.u32 $0xFFFFFFF0, v16  }
0x2c: {  	v3 =	vor.u32 v3, v4  }
0x2d: {  	v4 =	vperm.xlane v3, v0;
	_ =	sdelay $0x1  }
0x2e: {  	v3 =	vperm.xlane v3, v2;
	v4 =	vadd.s32 v1, v4;
	_ =	sdelay $0x1  }
0x2f: {  	v3 =	vadd.s32 v1, v3;
	_ =	sdelay $0x2  }
0x30: {  	[tilespmem:s19], [sflag:$0x1] =	stream.indirect_vreg.gather [hbm4b:s1+s3], $0x80, v4, vm0, $0xb8;
	[tilespmem:$0x7080] =	vst v63  }
0x31: {  	_ = 	snop  }
0x32: {  	[tilespmem:s20], [sflag:$0x1] =	stream.indirect_vreg.gather [hbm4b:s1+s3], $0x80, v3, vm0, $0xb8;
	[tilespmem:$0x7080] =	vst v63  }
0x33: {  	v3 =	vld [tilespmem:$0x20];
	_ =	sdelay $0x4  }
0x34: {  	v17 =	vshll.u32 v3, $0x1  }
0x35: {  	v3 =	vand.u32 $0x7, v3;
	v4 =	vand.u32 $0xFFFFFFF0, v17  }
0x36: {  	v3 =	vor.u32 v3, v4  }
0x37: {  	v4 =	vperm.xlane v3, v0;
	_ =	sdelay $0x1  }
0x38: {  	v3 =	vperm.xlane v3, v2;
	v4 =	vadd.s32 v1, v4;
	_ =	sdelay $0x1  }
0x39: {  	v3 =	vadd.s32 v1, v3;
	_ =	sdelay $0x2  }
0x3a: {  	[tilespmem:s21], [sflag:$0x1] =	stream.indirect_vreg.gather [hbm4b:s1+s3], $0x80, v4, vm0, $0xb8;
	[tilespmem:$0x7080] =	vst v63  }
0x3b: {  	_ = 	snop  }
0x3c: {  	[tilespmem:s22], [sflag:$0x1] =	stream.indirect_vreg.gather [hbm4b:s1+s3], $0x80, v3, vm0, $0xb8;
	[tilespmem:$0x7080] =	vst v63  }
0x3d: {  	v3 =	vld [tilespmem:$0x30];
	_ =	sdelay $0x4  }
0x3e: {  	v18 =	vshll.u32 v3, $0x1  }
0x3f: {  	v3 =	vand.u32 $0x7, v3;
	v4 =	vand.u32 $0xFFFFFFF0, v18  }
0x40: {  	v3 =	vor.u32 v3, v4  }
0x41: {  	v4 =	vperm.xlane v3, v0;
	_ =	sdelay $0x1  }
0x42: {  	v3 =	vperm.xlane v3, v2;
	v4 =	vadd.s32 v1, v4;
	_ =	sdelay $0x1  }
0x43: {  	v3 =	vadd.s32 v1, v3;
	_ =	sdelay $0x2  }
0x44: {  	[tilespmem:s23], [sflag:$0x1] =	stream.indirect_vreg.gather [hbm4b:s1+s3], $0x80, v4, vm0, $0xb8;
	[tilespmem:$0x7080] =	vst v63  }
0x45: {  	_ = 	snop  }
0x46: {  	[tilespmem:s24], [sflag:$0x1] =	stream.indirect_vreg.gather [hbm4b:s1+s3], $0x80, v3, vm0, $0xb8;
	[tilespmem:$0x7080] =	vst v63  }
0x47: {  	v3 =	vld [tilespmem:$0x40];
	_ =	sdelay $0x4  }
0x48: {  	v19 =	vshll.u32 v3, $0x1  }
0x49: {  	v3 =	vand.u32 $0x7, v3;
	v4 =	vand.u32 $0xFFFFFFF0, v19  }
0x4a: {  	v3 =	vor.u32 v3, v4  }
0x4b: {  	v4 =	vperm.xlane v3, v0;
	_ =	sdelay $0x1  }
0x4c: {  	v3 =	vperm.xlane v3, v2;
	v4 =	vadd.s32 v1, v4;
	_ =	sdelay $0x1  }
0x4d: {  	v3 =	vadd.s32 v1, v3;
	_ =	sdelay $0x2  }
0x4e: {  	[tilespmem:s25], [sflag:$0x1] =	stream.indirect_vreg.gather [hbm4b:s1+s3], $0x80, v4, vm0, $0xb8;
	[tilespmem:$0x7080] =	vst v63  }
0x4f: {  	_ = 	snop  }
0x50: {  	[tilespmem:s26], [sflag:$0x1] =	stream.indirect_vreg.gather [hbm4b:s1+s3], $0x80, v3, vm0, $0xb8;
	[tilespmem:$0x7080] =	vst v63  }
0x51: {  	v3 =	vld [tilespmem:$0x50];
	_ =	sdelay $0x4  }
0x52: {  	v20 =	vshll.u32 v3, $0x1  }
0x53: {  	v3 =	vand.u32 $0x7, v3;
	v4 =	vand.u32 $0xFFFFFFF0, v20  }
0x54: {  	v3 =	vor.u32 v3, v4  }
0x55: {  	v4 =	vperm.xlane v3, v0;
	_ =	sdelay $0x1  }
0x56: {  	v3 =	vperm.xlane v3, v2;
	v4 =	vadd.s32 v1, v4;
	_ =	sdelay $0x1  }
0x57: {  	v3 =	vadd.s32 v1, v3;
	_ =	sdelay $0x2  }
0x58: {  	[tilespmem:s28], [sflag:$0x1] =	stream.indirect_vreg.gather [hbm4b:s1+s3], $0x80, v4, vm0, $0xb8;
	[tilespmem:$0x7080] =	vst v63  }
0x59: {  	_ = 	snop  }
0x5a: {  	[tilespmem:s29], [sflag:$0x1] =	stream.indirect_vreg.gather [hbm4b:s1+s3], $0x80, v3, vm0, $0xb8;
	[tilespmem:$0x7080] =	vst v63  }
0x5b: {  	v3 =	vld [tilespmem:$0x60];
	_ =	sdelay $0x4  }
0x5c: {  	v21 =	vshll.u32 v3, $0x1  }
0x5d: {  	v3 =	vand.u32 $0x7, v3;
	v4 =	vand.u32 $0xFFFFFFF0, v21  }
0x5e: {  	v3 =	vor.u32 v3, v4  }
0x5f: {  	v4 =	vperm.xlane v3, v0;
	_ =	sdelay $0x1  }
0x60: {  	v3 =	vperm.xlane v3, v2;
	v4 =	vadd.s32 v1, v4;
	_ =	sdelay $0x1  }
0x61: {  	v3 =	vadd.s32 v1, v3;
	_ =	sdelay $0x2  }
0x62: {  	[tilespmem:s30], [sflag:$0x1] =	stream.indirect_vreg.gather [hbm4b:s1+s3], $0x80, v4, vm0, $0xb8;
	[tilespmem:$0x7080] =	vst v63  }
0x63: {  	_ = 	snop  }
0x64: {  	[tilespmem:s31], [sflag:$0x1] =	stream.indirect_vreg.gather [hbm4b:s1+s3], $0x80, v3, vm0, $0xb8;
	[tilespmem:$0x7080] =	vst v63  }
0x65: {  	_ =	swait.ge [sflag:s2], $0x7000  }
0x66: {  	[sflag:s2] =	ssyncset.done $0x0  }
0x67: {  	s0 =	rddreg [dreg:$0x5];
	[sflag:s2] =	ssyncadd.s32 $0xFFFF9000  }
0x68: {  	[hbm4b:s0+s3] =	stream.linear.scatter [tilespmem:s17], [sflag:$0x2], $0x7000, $0x38;
	[tilespmem:$0x7080] =	vst v63  }
0x69: {  	_ =	swait.ge [sflag:s16], $0x7000  }
0x6a: {  	[sflag:s16] =	ssyncset.done $0x0  }
0x6b: {  	s0 =	rddreg [dreg:$0x6];
	[sflag:s16] =	ssyncadd.s32 $0xFFFF9000  }
0x6c: {  	[tilespmem:s3], [sflag:$0x2] =	stream.linear.gather [hbm4b:s0+s3], $0x70, $0x38;
	[tilespmem:$0x7080] =	vst v63  }
0x6d: {  	_ =	swait.ge [sflag:s16], $0x70  }
0x6e: {  	[sflag:s16] =	ssyncset.done $0x0  }
0x6f: {  	[sflag:s16] =	ssyncadd.s32 $0xFFFFFF90  }
0x70: {  	v3 =	vld [tilespmem:$0x0];
	_ =	sdelay $0x4  }
0x71: {  	v22 =	vshll.u32 v3, $0x1  }
0x72: {  	v3 =	vand.u32 $0x7, v3;
	v4 =	vand.u32 $0xFFFFFFF0, v22  }
0x73: {  	v3 =	vor.u32 v3, v4  }
0x74: {  	v4 =	vperm.xlane v3, v0;
	_ =	sdelay $0x1  }
0x75: {  	v3 =	vperm.xlane v3, v2;
	v4 =	vadd.s32 v1, v4;
	_ =	sdelay $0x1  }
0x76: {  	v3 =	vadd.s32 v1, v3;
	_ =	sdelay $0x2  }
0x77: {  	[tilespmem:s17], [sflag:$0x1] =	stream.indirect_vreg.gather [hbm4b:s1+s3], $0x80, v4, vm0, $0xb8;
	[tilespmem:$0x7080] =	vst v63  }
0x78: {  	_ = 	snop  }
0x79: {  	[tilespmem:s18], [sflag:$0x1] =	stream.indirect_vreg.gather [hbm4b:s1+s3], $0x80, v3, vm0, $0xb8;
	[tilespmem:$0x7080] =	vst v63  }
0x7a: {  	v3 =	vld [tilespmem:$0x10];
	_ =	sdelay $0x4  }
0x7b: {  	v23 =	vshll.u32 v3, $0x1  }
0x7c: {  	v3 =	vand.u32 $0x7, v3;
	v4 =	vand.u32 $0xFFFFFFF0, v23  }
0x7d: {  	v3 =	vor.u32 v3, v4  }
0x7e: {  	v4 =	vperm.xlane v3, v0;
	_ =	sdelay $0x1  }
0x7f: {  	v3 =	vperm.xlane v3, v2;
	v4 =	vadd.s32 v1, v4;
	_ =	sdelay $0x1  }
0x80: {  	v3 =	vadd.s32 v1, v3;
	_ =	sdelay $0x2  }
0x81: {  	[tilespmem:s19], [sflag:$0x1] =	stream.indirect_vreg.gather [hbm4b:s1+s3], $0x80, v4, vm0, $0xb8;
	[tilespmem:$0x7080] =	vst v63  }
0x82: {  	_ = 	snop  }
0x83: {  	[tilespmem:s20], [sflag:$0x1] =	stream.indirect_vreg.gather [hbm4b:s1+s3], $0x80, v3, vm0, $0xb8;
	[tilespmem:$0x7080] =	vst v63  }
0x84: {  	v3 =	vld [tilespmem:$0x20];
	_ =	sdelay $0x4  }
0x85: {  	v24 =	vshll.u32 v3, $0x1  }
0x86: {  	v3 =	vand.u32 $0x7, v3;
	v4 =	vand.u32 $0xFFFFFFF0, v24  }
0x87: {  	v3 =	vor.u32 v3, v4  }
0x88: {  	v4 =	vperm.xlane v3, v0;
	_ =	sdelay $0x1  }
0x89: {  	v3 =	vperm.xlane v3, v2;
	v4 =	vadd.s32 v1, v4;
	_ =	sdelay $0x1  }
0x8a: {  	v3 =	vadd.s32 v1, v3;
	_ =	sdelay $0x2  }
0x8b: {  	[tilespmem:s21], [sflag:$0x1] =	stream.indirect_vreg.gather [hbm4b:s1+s3], $0x80, v4, vm0, $0xb8;
	[tilespmem:$0x7080] =	vst v63  }
0x8c: {  	_ = 	snop  }
0x8d: {  	[tilespmem:s22], [sflag:$0x1] =	stream.indirect_vreg.gather [hbm4b:s1+s3], $0x80, v3, vm0, $0xb8;
	[tilespmem:$0x7080] =	vst v63  }
0x8e: {  	v3 =	vld [tilespmem:$0x30];
	_ =	sdelay $0x4  }
0x8f: {  	v25 =	vshll.u32 v3, $0x1  }
0x90: {  	v3 =	vand.u32 $0x7, v3;
	v4 =	vand.u32 $0xFFFFFFF0, v25  }
0x91: {  	v3 =	vor.u32 v3, v4  }
0x92: {  	v4 =	vperm.xlane v3, v0;
	_ =	sdelay $0x1  }
0x93: {  	v3 =	vperm.xlane v3, v2;
	v4 =	vadd.s32 v1, v4;
	_ =	sdelay $0x1  }
0x94: {  	v3 =	vadd.s32 v1, v3;
	_ =	sdelay $0x2  }
0x95: {  	[tilespmem:s23], [sflag:$0x1] =	stream.indirect_vreg.gather [hbm4b:s1+s3], $0x80, v4, vm0, $0xb8;
	[tilespmem:$0x7080] =	vst v63  }
0x96: {  	_ = 	snop  }
0x97: {  	[tilespmem:s24], [sflag:$0x1] =	stream.indirect_vreg.gather [hbm4b:s1+s3], $0x80, v3, vm0, $0xb8;
	[tilespmem:$0x7080] =	vst v63  }
0x98: {  	v3 =	vld [tilespmem:$0x40];
	_ =	sdelay $0x4  }
0x99: {  	v26 =	vshll.u32 v3, $0x1  }
0x9a: {  	v3 =	vand.u32 $0x7, v3;
	v4 =	vand.u32 $0xFFFFFFF0, v26  }
0x9b: {  	v3 =	vor.u32 v3, v4  }
0x9c: {  	v4 =	vperm.xlane v3, v0;
	_ =	sdelay $0x1  }
0x9d: {  	v3 =	vperm.xlane v3, v2;
	v4 =	vadd.s32 v1, v4;
	_ =	sdelay $0x1  }
0x9e: {  	v3 =	vadd.s32 v1, v3;
	_ =	sdelay $0x2  }
0x9f: {  	[tilespmem:s25], [sflag:$0x1] =	stream.indirect_vreg.gather [hbm4b:s1+s3], $0x80, v4, vm0, $0xb8;
	[tilespmem:$0x7080] =	vst v63  }
0xa0: {  	_ = 	snop  }
0xa1: {  	[tilespmem:s26], [sflag:$0x1] =	stream.indirect_vreg.gather [hbm4b:s1+s3], $0x80, v3, vm0, $0xb8;
	[tilespmem:$0x7080] =	vst v63  }
0xa2: {  	v3 =	vld [tilespmem:$0x50];
	_ =	sdelay $0x4  }
0xa3: {  	v27 =	vshll.u32 v3, $0x1  }
0xa4: {  	v3 =	vand.u32 $0x7, v3;
	v4 =	vand.u32 $0xFFFFFFF0, v27  }
0xa5: {  	v3 =	vor.u32 v3, v4  }
0xa6: {  	v4 =	vperm.xlane v3, v0;
	_ =	sdelay $0x1  }
0xa7: {  	v3 =	vperm.xlane v3, v2;
	v4 =	vadd.s32 v1, v4;
	_ =	sdelay $0x1  }
0xa8: {  	v3 =	vadd.s32 v1, v3;
	_ =	sdelay $0x2  }
0xa9: {  	[tilespmem:s28], [sflag:$0x1] =	stream.indirect_vreg.gather [hbm4b:s1+s3], $0x80, v4, vm0, $0xb8;
	[tilespmem:$0x7080] =	vst v63  }
0xaa: {  	_ = 	snop  }
0xab: {  	[tilespmem:s29], [sflag:$0x1] =	stream.indirect_vreg.gather [hbm4b:s1+s3], $0x80, v3, vm0, $0xb8;
	[tilespmem:$0x7080] =	vst v63  }
0xac: {  	v3 =	vld [tilespmem:$0x60];
	_ =	sdelay $0x4  }
0xad: {  	v28 =	vshll.u32 v3, $0x1  }
0xae: {  	v3 =	vand.u32 $0x7, v3;
	v4 =	vand.u32 $0xFFFFFFF0, v28  }
0xaf: {  	v3 =	vor.u32 v3, v4  }
0xb0: {  	v4 =	vperm.xlane v3, v0;
	_ =	sdelay $0x1  }
0xb1: {  	v3 =	vperm.xlane v3, v2;
	v4 =	vadd.s32 v1, v4;
	_ =	sdelay $0x1  }
0xb2: {  	v3 =	vadd.s32 v1, v3;
	_ =	sdelay $0x2  }
0xb3: {  	[tilespmem:s30], [sflag:$0x1] =	stream.indirect_vreg.gather [hbm4b:s1+s3], $0x80, v4, vm0, $0xb8;
	[tilespmem:$0x7080] =	vst v63  }
0xb4: {  	_ = 	snop  }
0xb5: {  	[tilespmem:s31], [sflag:$0x1] =	stream.indirect_vreg.gather [hbm4b:s1+s3], $0x80, v3, vm0, $0xb8;
	[tilespmem:$0x7080] =	vst v63  }
0xb6: {  	_ =	swait.ge [sflag:s2], $0x7000  }
0xb7: {  	[sflag:s2] =	ssyncset.done $0x0  }
0xb8: {  	[sflag:s2] =	ssyncadd.s32 $0xFFFF9000  }
0xb9: {  	[hbm4b:s4+s3] =	stream.linear.scatter [tilespmem:s17], [sflag:$0x2], $0x7000, $0x38;
	[tilespmem:$0x7080] =	vst v63  }
0xba: {  	_ =	swait.ge [sflag:s16], $0x7000  }
0xbb: {  	[sflag:s16] =	ssyncset.done $0x0  }
0xbc: {  	[sflag:s16] =	ssyncadd.s32 $0xFFFF9000  }
0xbd: {  	[tilespmem:s3], [sflag:$0x2] =	stream.linear.gather [hbm4b:s5+s3], $0x70, $0x38;
	[tilespmem:$0x7080] =	vst v63  }
0xbe: {  	_ =	swait.ge [sflag:s16], $0x70  }
0xbf: {  	[sflag:s16] =	ssyncset.done $0x0  }
0xc0: {  	[sflag:s16] =	ssyncadd.s32 $0xFFFFFF90  }
0xc1: {  	v3 =	vld [tilespmem:$0x0];
	_ =	sdelay $0x4  }
0xc2: {  	v29 =	vshll.u32 v3, $0x1  }
0xc3: {  	v3 =	vand.u32 $0x7, v3;
	v4 =	vand.u32 $0xFFFFFFF0, v29  }
0xc4: {  	v3 =	vor.u32 v3, v4  }
0xc5: {  	v4 =	vperm.xlane v3, v0;
	_ =	sdelay $0x1  }
0xc6: {  	v3 =	vperm.xlane v3, v2;
	v4 =	vadd.s32 v1, v4;
	_ =	sdelay $0x1  }
0xc7: {  	v3 =	vadd.s32 v1, v3;
	_ =	sdelay $0x2  }
0xc8: {  	[tilespmem:s17], [sflag:$0x1] =	stream.indirect_vreg.gather [hbm4b:s1+s3], $0x80, v4, vm0, $0xb8;
	[tilespmem:$0x7080] =	vst v63  }
0xc9: {  	_ = 	snop  }
0xca: {  	[tilespmem:s18], [sflag:$0x1] =	stream.indirect_vreg.gather [hbm4b:s1+s3], $0x80, v3, vm0, $0xb8;
	[tilespmem:$0x7080] =	vst v63  }
0xcb: {  	v3 =	vld [tilespmem:$0x10];
	_ =	sdelay $0x4  }
0xcc: {  	v30 =	vshll.u32 v3, $0x1  }
0xcd: {  	v3 =	vand.u32 $0x7, v3;
	v4 =	vand.u32 $0xFFFFFFF0, v30  }
0xce: {  	v3 =	vor.u32 v3, v4  }
0xcf: {  	v4 =	vperm.xlane v3, v0;
	_ =	sdelay $0x1  }
0xd0: {  	v3 =	vperm.xlane v3, v2;
	v4 =	vadd.s32 v1, v4;
	_ =	sdelay $0x1  }
0xd1: {  	v3 =	vadd.s32 v1, v3;
	_ =	sdelay $0x2  }
0xd2: {  	[tilespmem:s19], [sflag:$0x1] =	stream.indirect_vreg.gather [hbm4b:s1+s3], $0x80, v4, vm0, $0xb8;
	[tilespmem:$0x7080] =	vst v63  }
0xd3: {  	_ = 	snop  }
0xd4: {  	[tilespmem:s20], [sflag:$0x1] =	stream.indirect_vreg.gather [hbm4b:s1+s3], $0x80, v3, vm0, $0xb8;
	[tilespmem:$0x7080] =	vst v63  }
0xd5: {  	v3 =	vld [tilespmem:$0x20];
	_ =	sdelay $0x4  }
0xd6: {  	v31 =	vshll.u32 v3, $0x1  }
0xd7: {  	v3 =	vand.u32 $0x7, v3;
	v4 =	vand.u32 $0xFFFFFFF0, v31  }
0xd8: {  	v3 =	vor.u32 v3, v4  }
0xd9: {  	v4 =	vperm.xlane v3, v0;
	_ =	sdelay $0x1  }
0xda: {  	v3 =	vperm.xlane v3, v2;
	v4 =	vadd.s32 v1, v4;
	_ =	sdelay $0x1  }
0xdb: {  	v3 =	vadd.s32 v1, v3;
	_ =	sdelay $0x2  }
0xdc: {  	[tilespmem:s21], [sflag:$0x1] =	stream.indirect_vreg.gather [hbm4b:s1+s3], $0x80, v4, vm0, $0xb8;
	[tilespmem:$0x7080] =	vst v63  }
0xdd: {  	_ = 	snop  }
0xde: {  	[tilespmem:s22], [sflag:$0x1] =	stream.indirect_vreg.gather [hbm4b:s1+s3], $0x80, v3, vm0, $0xb8;
	[tilespmem:$0x7080] =	vst v63  }
0xdf: {  	v3 =	vld [tilespmem:$0x30];
	_ =	sdelay $0x4  }
0xe0: {  	v32 =	vshll.u32 v3, $0x1  }
0xe1: {  	v3 =	vand.u32 $0x7, v3;
	v4 =	vand.u32 $0xFFFFFFF0, v32  }
0xe2: {  	v3 =	vor.u32 v3, v4  }
0xe3: {  	v4 =	vperm.xlane v3, v0;
	_ =	sdelay $0x1  }
0xe4: {  	v3 =	vperm.xlane v3, v2;
	v4 =	vadd.s32 v1, v4;
	_ =	sdelay $0x1  }
0xe5: {  	v3 =	vadd.s32 v1, v3;
	_ =	sdelay $0x2  }
0xe6: {  	[tilespmem:s23], [sflag:$0x1] =	stream.indirect_vreg.gather [hbm4b:s1+s3], $0x80, v4, vm0, $0xb8;
	[tilespmem:$0x7080] =	vst v63  }
0xe7: {  	_ = 	snop  }
0xe8: {  	[tilespmem:s24], [sflag:$0x1] =	stream.indirect_vreg.gather [hbm4b:s1+s3], $0x80, v3, vm0, $0xb8;
	[tilespmem:$0x7080] =	vst v63  }
0xe9: {  	v3 =	vld [tilespmem:$0x40];
	_ =	sdelay $0x4  }
0xea: {  	v33 =	vshll.u32 v3, $0x1  }
0xeb: {  	v3 =	vand.u32 $0x7, v3;
	v4 =	vand.u32 $0xFFFFFFF0, v33  }
0xec: {  	v3 =	vor.u32 v3, v4  }
0xed: {  	v4 =	vperm.xlane v3, v0;
	_ =	sdelay $0x1  }
0xee: {  	v3 =	vperm.xlane v3, v2;
	v4 =	vadd.s32 v1, v4;
	_ =	sdelay $0x1  }
0xef: {  	v3 =	vadd.s32 v1, v3;
	_ =	sdelay $0x2  }
0xf0: {  	[tilespmem:s25], [sflag:$0x1] =	stream.indirect_vreg.gather [hbm4b:s1+s3], $0x80, v4, vm0, $0xb8;
	[tilespmem:$0x7080] =	vst v63  }
0xf1: {  	_ = 	snop  }
0xf2: {  	[tilespmem:s26], [sflag:$0x1] =	stream.indirect_vreg.gather [hbm4b:s1+s3], $0x80, v3, vm0, $0xb8;
	[tilespmem:$0x7080] =	vst v63  }
0xf3: {  	v3 =	vld [tilespmem:$0x50];
	_ =	sdelay $0x4  }
0xf4: {  	v34 =	vshll.u32 v3, $0x1  }
0xf5: {  	v3 =	vand.u32 $0x7, v3;
	v4 =	vand.u32 $0xFFFFFFF0, v34  }
0xf6: {  	v3 =	vor.u32 v3, v4  }
0xf7: {  	v4 =	vperm.xlane v3, v0;
	_ =	sdelay $0x1  }
0xf8: {  	v3 =	vperm.xlane v3, v2;
	v4 =	vadd.s32 v1, v4;
	_ =	sdelay $0x1  }
0xf9: {  	v3 =	vadd.s32 v1, v3;
	_ =	sdelay $0x2  }
0xfa: {  	[tilespmem:s28], [sflag:$0x1] =	stream.indirect_vreg.gather [hbm4b:s1+s3], $0x80, v4, vm0, $0xb8;
	[tilespmem:$0x7080] =	vst v63  }
0xfb: {  	_ = 	snop  }
0xfc: {  	[tilespmem:s29], [sflag:$0x1] =	stream.indirect_vreg.gather [hbm4b:s1+s3], $0x80, v3, vm0, $0xb8;
	[tilespmem:$0x7080] =	vst v63  }
0xfd: {  	v3 =	vld [tilespmem:$0x60];
	_ =	sdelay $0x4  }
0xfe: {  	v35 =	vshll.u32 v3, $0x1  }
0xff: {  	v3 =	vand.u32 $0x7, v3;
	v4 =	vand.u32 $0xFFFFFFF0, v35  }
0x100: {  	v3 =	vor.u32 v3, v4  }
0x101: {  	v4 =	vperm.xlane v3, v0;
	_ =	sdelay $0x1  }
0x102: {  	v3 =	vperm.xlane v3, v2;
	v4 =	vadd.s32 v1, v4;
	_ =	sdelay $0x1  }
0x103: {  	v3 =	vadd.s32 v1, v3;
	_ =	sdelay $0x2  }
0x104: {  	[tilespmem:s30], [sflag:$0x1] =	stream.indirect_vreg.gather [hbm4b:s1+s3], $0x80, v4, vm0, $0xb8;
	[tilespmem:$0x7080] =	vst v63  }
0x105: {  	_ = 	snop  }
0x106: {  	[tilespmem:s31], [sflag:$0x1] =	stream.indirect_vreg.gather [hbm4b:s1+s3], $0x80, v3, vm0, $0xb8;
	[tilespmem:$0x7080] =	vst v63  }
0x107: {  	_ =	swait.ge [sflag:s2], $0x7000  }
0x108: {  	[sflag:s2] =	ssyncset.done $0x0  }
0x109: {  	[sflag:s2] =	ssyncadd.s32 $0xFFFF9000  }
0x10a: {  	[hbm4b:s6+s3] =	stream.linear.scatter [tilespmem:s17], [sflag:$0x2], $0x7000, $0x38;
	[tilespmem:$0x7080] =	vst v63  }
0x10b: {  	_ =	swait.ge [sflag:s16], $0x7000  }
0x10c: {  	[sflag:s16] =	ssyncset.done $0x0  }
0x10d: {  	[sflag:s16] =	ssyncadd.s32 $0xFFFF9000  }
0x10e: {  	[tilespmem:s3], [sflag:$0x2] =	stream.linear.gather [hbm4b:s7+s3], $0x70, $0x38;
	[tilespmem:$0x7080] =	vst v63  }
0x10f: {  	_ =	swait.ge [sflag:s16], $0x70  }
0x110: {  	[sflag:s16] =	ssyncset.done $0x0  }
0x111: {  	[sflag:s16] =	ssyncadd.s32 $0xFFFFFF90  }
0x112: {  	v3 =	vld [tilespmem:$0x0];
	_ =	sdelay $0x4  }
0x113: {  	v36 =	vshll.u32 v3, $0x1  }
0x114: {  	v3 =	vand.u32 $0x7, v3;
	v4 =	vand.u32 $0xFFFFFFF0, v36  }
0x115: {  	v3 =	vor.u32 v3, v4  }
0x116: {  	v4 =	vperm.xlane v3, v0;
	_ =	sdelay $0x1  }
0x117: {  	v3 =	vperm.xlane v3, v2;
	v4 =	vadd.s32 v1, v4;
	_ =	sdelay $0x1  }
0x118: {  	v3 =	vadd.s32 v1, v3;
	_ =	sdelay $0x2  }
0x119: {  	[tilespmem:s17], [sflag:$0x1] =	stream.indirect_vreg.gather [hbm4b:s1+s3], $0x80, v4, vm0, $0xb8;
	[tilespmem:$0x7080] =	vst v63  }
0x11a: {  	_ = 	snop  }
0x11b: {  	[tilespmem:s18], [sflag:$0x1] =	stream.indirect_vreg.gather [hbm4b:s1+s3], $0x80, v3, vm0, $0xb8;
	[tilespmem:$0x7080] =	vst v63  }
0x11c: {  	v3 =	vld [tilespmem:$0x10];
	_ =	sdelay $0x4  }
0x11d: {  	v37 =	vshll.u32 v3, $0x1  }
0x11e: {  	v3 =	vand.u32 $0x7, v3;
	v4 =	vand.u32 $0xFFFFFFF0, v37  }
0x11f: {  	v3 =	vor.u32 v3, v4  }
0x120: {  	v4 =	vperm.xlane v3, v0;
	_ =	sdelay $0x1  }
0x121: {  	v3 =	vperm.xlane v3, v2;
	v4 =	vadd.s32 v1, v4;
	_ =	sdelay $0x1  }
0x122: {  	v3 =	vadd.s32 v1, v3;
	_ =	sdelay $0x2  }
0x123: {  	[tilespmem:s19], [sflag:$0x1] =	stream.indirect_vreg.gather [hbm4b:s1+s3], $0x80, v4, vm0, $0xb8;
	[tilespmem:$0x7080] =	vst v63  }
0x124: {  	_ = 	snop  }
0x125: {  	[tilespmem:s20], [sflag:$0x1] =	stream.indirect_vreg.gather [hbm4b:s1+s3], $0x80, v3, vm0, $0xb8;
	[tilespmem:$0x7080] =	vst v63  }
0x126: {  	v3 =	vld [tilespmem:$0x20];
	_ =	sdelay $0x4  }
0x127: {  	v38 =	vshll.u32 v3, $0x1  }
0x128: {  	v3 =	vand.u32 $0x7, v3;
	v4 =	vand.u32 $0xFFFFFFF0, v38  }
0x129: {  	v3 =	vor.u32 v3, v4  }
0x12a: {  	v4 =	vperm.xlane v3, v0;
	_ =	sdelay $0x1  }
0x12b: {  	v3 =	vperm.xlane v3, v2;
	v4 =	vadd.s32 v1, v4;
	_ =	sdelay $0x1  }
0x12c: {  	v3 =	vadd.s32 v1, v3;
	_ =	sdelay $0x2  }
0x12d: {  	[tilespmem:s21], [sflag:$0x1] =	stream.indirect_vreg.gather [hbm4b:s1+s3], $0x80, v4, vm0, $0xb8;
	[tilespmem:$0x7080] =	vst v63  }
0x12e: {  	_ = 	snop  }
0x12f: {  	[tilespmem:s22], [sflag:$0x1] =	stream.indirect_vreg.gather [hbm4b:s1+s3], $0x80, v3, vm0, $0xb8;
	[tilespmem:$0x7080] =	vst v63  }
0x130: {  	v3 =	vld [tilespmem:$0x30];
	_ =	sdelay $0x4  }
0x131: {  	v39 =	vshll.u32 v3, $0x1  }
0x132: {  	v3 =	vand.u32 $0x7, v3;
	v4 =	vand.u32 $0xFFFFFFF0, v39  }
0x133: {  	v3 =	vor.u32 v3, v4  }
0x134: {  	v4 =	vperm.xlane v3, v0;
	_ =	sdelay $0x1  }
0x135: {  	v3 =	vperm.xlane v3, v2;
	v4 =	vadd.s32 v1, v4;
	_ =	sdelay $0x1  }
0x136: {  	v3 =	vadd.s32 v1, v3;
	_ =	sdelay $0x2  }
0x137: {  	[tilespmem:s23], [sflag:$0x1] =	stream.indirect_vreg.gather [hbm4b:s1+s3], $0x80, v4, vm0, $0xb8;
	[tilespmem:$0x7080] =	vst v63  }
0x138: {  	_ = 	snop  }
0x139: {  	[tilespmem:s24], [sflag:$0x1] =	stream.indirect_vreg.gather [hbm4b:s1+s3], $0x80, v3, vm0, $0xb8;
	[tilespmem:$0x7080] =	vst v63  }
0x13a: {  	v3 =	vld [tilespmem:$0x40];
	_ =	sdelay $0x4  }
0x13b: {  	v40 =	vshll.u32 v3, $0x1  }
0x13c: {  	v3 =	vand.u32 $0x7, v3;
	v4 =	vand.u32 $0xFFFFFFF0, v40  }
0x13d: {  	v3 =	vor.u32 v3, v4  }
0x13e: {  	v4 =	vperm.xlane v3, v0;
	_ =	sdelay $0x1  }
0x13f: {  	v3 =	vperm.xlane v3, v2;
	v4 =	vadd.s32 v1, v4;
	_ =	sdelay $0x1  }
0x140: {  	v3 =	vadd.s32 v1, v3;
	_ =	sdelay $0x2  }
0x141: {  	[tilespmem:s25], [sflag:$0x1] =	stream.indirect_vreg.gather [hbm4b:s1+s3], $0x80, v4, vm0, $0xb8;
	[tilespmem:$0x7080] =	vst v63  }
0x142: {  	_ = 	snop  }
0x143: {  	[tilespmem:s26], [sflag:$0x1] =	stream.indirect_vreg.gather [hbm4b:s1+s3], $0x80, v3, vm0, $0xb8;
	[tilespmem:$0x7080] =	vst v63  }
0x144: {  	v3 =	vld [tilespmem:$0x50];
	_ =	sdelay $0x4  }
0x145: {  	v41 =	vshll.u32 v3, $0x1  }
0x146: {  	v3 =	vand.u32 $0x7, v3;
	v4 =	vand.u32 $0xFFFFFFF0, v41  }
0x147: {  	v3 =	vor.u32 v3, v4  }
0x148: {  	v4 =	vperm.xlane v3, v0;
	_ =	sdelay $0x1  }
0x149: {  	v3 =	vperm.xlane v3, v2;
	v4 =	vadd.s32 v1, v4;
	_ =	sdelay $0x1  }
0x14a: {  	v3 =	vadd.s32 v1, v3;
	_ =	sdelay $0x2  }
0x14b: {  	[tilespmem:s28], [sflag:$0x1] =	stream.indirect_vreg.gather [hbm4b:s1+s3], $0x80, v4, vm0, $0xb8;
	[tilespmem:$0x7080] =	vst v63  }
0x14c: {  	_ = 	snop  }
0x14d: {  	[tilespmem:s29], [sflag:$0x1] =	stream.indirect_vreg.gather [hbm4b:s1+s3], $0x80, v3, vm0, $0xb8;
	[tilespmem:$0x7080] =	vst v63  }
0x14e: {  	v3 =	vld [tilespmem:$0x60];
	_ =	sdelay $0x4  }
0x14f: {  	v42 =	vshll.u32 v3, $0x1  }
0x150: {  	v3 =	vand.u32 $0x7, v3;
	v4 =	vand.u32 $0xFFFFFFF0, v42  }
0x151: {  	v3 =	vor.u32 v3, v4  }
0x152: {  	v4 =	vperm.xlane v3, v0;
	_ =	sdelay $0x1  }
0x153: {  	v3 =	vperm.xlane v3, v2;
	v4 =	vadd.s32 v1, v4;
	_ =	sdelay $0x1  }
0x154: {  	v3 =	vadd.s32 v1, v3;
	_ =	sdelay $0x2  }
0x155: {  	[tilespmem:s30], [sflag:$0x1] =	stream.indirect_vreg.gather [hbm4b:s1+s3], $0x80, v4, vm0, $0xb8;
	[tilespmem:$0x7080] =	vst v63  }
0x156: {  	_ = 	snop  }
0x157: {  	[tilespmem:s31], [sflag:$0x1] =	stream.indirect_vreg.gather [hbm4b:s1+s3], $0x80, v3, vm0, $0xb8;
	[tilespmem:$0x7080] =	vst v63  }
0x158: {  	_ =	swait.ge [sflag:s2], $0x7000  }
0x159: {  	[sflag:s2] =	ssyncset.done $0x0  }
0x15a: {  	[sflag:s2] =	ssyncadd.s32 $0xFFFF9000  }
0x15b: {  	[hbm4b:s8+s3] =	stream.linear.scatter [tilespmem:s17], [sflag:$0x2], $0x7000, $0x38;
	[tilespmem:$0x7080] =	vst v63  }
0x15c: {  	_ =	swait.ge [sflag:s16], $0x7000  }
0x15d: {  	[sflag:s16] =	ssyncset.done $0x0  }
0x15e: {  	[sflag:s16] =	ssyncadd.s32 $0xFFFF9000  }
0x15f: {  	[tilespmem:s3], [sflag:$0x2] =	stream.linear.gather [hbm4b:s9+s3], $0x70, $0x38;
	[tilespmem:$0x7080] =	vst v63  }
0x160: {  	_ =	swait.ge [sflag:s16], $0x70  }
0x161: {  	[sflag:s16] =	ssyncset.done $0x0  }
0x162: {  	[sflag:s16] =	ssyncadd.s32 $0xFFFFFF90  }
0x163: {  	v3 =	vld [tilespmem:$0x0];
	_ =	sdelay $0x4  }
0x164: {  	v43 =	vshll.u32 v3, $0x1  }
0x165: {  	v3 =	vand.u32 $0x7, v3;
	v4 =	vand.u32 $0xFFFFFFF0, v43  }
0x166: {  	v3 =	vor.u32 v3, v4  }
0x167: {  	v4 =	vperm.xlane v3, v0;
	_ =	sdelay $0x1  }
0x168: {  	v3 =	vperm.xlane v3, v2;
	v4 =	vadd.s32 v1, v4;
	_ =	sdelay $0x1  }
0x169: {  	v3 =	vadd.s32 v1, v3;
	_ =	sdelay $0x2  }
0x16a: {  	[tilespmem:s17], [sflag:$0x1] =	stream.indirect_vreg.gather [hbm4b:s1+s3], $0x80, v4, vm0, $0xb8;
	[tilespmem:$0x7080] =	vst v63  }
0x16b: {  	_ = 	snop  }
0x16c: {  	[tilespmem:s18], [sflag:$0x1] =	stream.indirect_vreg.gather [hbm4b:s1+s3], $0x80, v3, vm0, $0xb8;
	[tilespmem:$0x7080] =	vst v63  }
0x16d: {  	v3 =	vld [tilespmem:$0x10];
	_ =	sdelay $0x4  }
0x16e: {  	v44 =	vshll.u32 v3, $0x1  }
0x16f: {  	v3 =	vand.u32 $0x7, v3;
	v4 =	vand.u32 $0xFFFFFFF0, v44  }
0x170: {  	v3 =	vor.u32 v3, v4  }
0x171: {  	v4 =	vperm.xlane v3, v0;
	_ =	sdelay $0x1  }
0x172: {  	v3 =	vperm.xlane v3, v2;
	v4 =	vadd.s32 v1, v4;
	_ =	sdelay $0x1  }
0x173: {  	v3 =	vadd.s32 v1, v3;
	_ =	sdelay $0x2  }
0x174: {  	[tilespmem:s19], [sflag:$0x1] =	stream.indirect_vreg.gather [hbm4b:s1+s3], $0x80, v4, vm0, $0xb8;
	[tilespmem:$0x7080] =	vst v63  }
0x175: {  	_ = 	snop  }
0x176: {  	[tilespmem:s20], [sflag:$0x1] =	stream.indirect_vreg.gather [hbm4b:s1+s3], $0x80, v3, vm0, $0xb8;
	[tilespmem:$0x7080] =	vst v63  }
0x177: {  	v3 =	vld [tilespmem:$0x20];
	_ =	sdelay $0x4  }
0x178: {  	v45 =	vshll.u32 v3, $0x1  }
0x179: {  	v3 =	vand.u32 $0x7, v3;
	v4 =	vand.u32 $0xFFFFFFF0, v45  }
0x17a: {  	v3 =	vor.u32 v3, v4  }
0x17b: {  	v4 =	vperm.xlane v3, v0;
	_ =	sdelay $0x1  }
0x17c: {  	v3 =	vperm.xlane v3, v2;
	v4 =	vadd.s32 v1, v4;
	_ =	sdelay $0x1  }
0x17d: {  	v3 =	vadd.s32 v1, v3;
	_ =	sdelay $0x2  }
0x17e: {  	[tilespmem:s21], [sflag:$0x1] =	stream.indirect_vreg.gather [hbm4b:s1+s3], $0x80, v4, vm0, $0xb8;
	[tilespmem:$0x7080] =	vst v63  }
0x17f: {  	_ = 	snop  }
0x180: {  	[tilespmem:s22], [sflag:$0x1] =	stream.indirect_vreg.gather [hbm4b:s1+s3], $0x80, v3, vm0, $0xb8;
	[tilespmem:$0x7080] =	vst v63  }
0x181: {  	v3 =	vld [tilespmem:$0x30];
	_ =	sdelay $0x4  }
0x182: {  	v46 =	vshll.u32 v3, $0x1  }
0x183: {  	v3 =	vand.u32 $0x7, v3;
	v4 =	vand.u32 $0xFFFFFFF0, v46  }
0x184: {  	v3 =	vor.u32 v3, v4  }
0x185: {  	v4 =	vperm.xlane v3, v0;
	_ =	sdelay $0x1  }
0x186: {  	v3 =	vperm.xlane v3, v2;
	v4 =	vadd.s32 v1, v4;
	_ =	sdelay $0x1  }
0x187: {  	v3 =	vadd.s32 v1, v3;
	_ =	sdelay $0x2  }
0x188: {  	[tilespmem:s23], [sflag:$0x1] =	stream.indirect_vreg.gather [hbm4b:s1+s3], $0x80, v4, vm0, $0xb8;
	[tilespmem:$0x7080] =	vst v63  }
0x189: {  	_ = 	snop  }
0x18a: {  	[tilespmem:s24], [sflag:$0x1] =	stream.indirect_vreg.gather [hbm4b:s1+s3], $0x80, v3, vm0, $0xb8;
	[tilespmem:$0x7080] =	vst v63  }
0x18b: {  	v3 =	vld [tilespmem:$0x40];
	_ =	sdelay $0x4  }
0x18c: {  	v47 =	vshll.u32 v3, $0x1  }
0x18d: {  	v3 =	vand.u32 $0x7, v3;
	v4 =	vand.u32 $0xFFFFFFF0, v47  }
0x18e: {  	v3 =	vor.u32 v3, v4  }
0x18f: {  	v4 =	vperm.xlane v3, v0;
	_ =	sdelay $0x1  }
0x190: {  	v3 =	vperm.xlane v3, v2;
	v4 =	vadd.s32 v1, v4;
	_ =	sdelay $0x1  }
0x191: {  	v3 =	vadd.s32 v1, v3;
	_ =	sdelay $0x2  }
0x192: {  	[tilespmem:s25], [sflag:$0x1] =	stream.indirect_vreg.gather [hbm4b:s1+s3], $0x80, v4, vm0, $0xb8;
	[tilespmem:$0x7080] =	vst v63  }
0x193: {  	_ = 	snop  }
0x194: {  	[tilespmem:s26], [sflag:$0x1] =	stream.indirect_vreg.gather [hbm4b:s1+s3], $0x80, v3, vm0, $0xb8;
	[tilespmem:$0x7080] =	vst v63  }
0x195: {  	v3 =	vld [tilespmem:$0x50];
	_ =	sdelay $0x4  }
0x196: {  	v48 =	vshll.u32 v3, $0x1  }
0x197: {  	v3 =	vand.u32 $0x7, v3;
	v4 =	vand.u32 $0xFFFFFFF0, v48  }
0x198: {  	v3 =	vor.u32 v3, v4  }
0x199: {  	v4 =	vperm.xlane v3, v0;
	_ =	sdelay $0x1  }
0x19a: {  	v3 =	vperm.xlane v3, v2;
	v4 =	vadd.s32 v1, v4;
	_ =	sdelay $0x1  }
0x19b: {  	v3 =	vadd.s32 v1, v3;
	_ =	sdelay $0x2  }
0x19c: {  	[tilespmem:s28], [sflag:$0x1] =	stream.indirect_vreg.gather [hbm4b:s1+s3], $0x80, v4, vm0, $0xb8;
	[tilespmem:$0x7080] =	vst v63  }
0x19d: {  	_ = 	snop  }
0x19e: {  	[tilespmem:s29], [sflag:$0x1] =	stream.indirect_vreg.gather [hbm4b:s1+s3], $0x80, v3, vm0, $0xb8;
	[tilespmem:$0x7080] =	vst v63  }
0x19f: {  	v3 =	vld [tilespmem:$0x60];
	_ =	sdelay $0x4  }
0x1a0: {  	v49 =	vshll.u32 v3, $0x1  }
0x1a1: {  	v3 =	vand.u32 $0x7, v3;
	v4 =	vand.u32 $0xFFFFFFF0, v49  }
0x1a2: {  	v3 =	vor.u32 v3, v4  }
0x1a3: {  	v4 =	vperm.xlane v3, v0;
	_ =	sdelay $0x1  }
0x1a4: {  	v3 =	vperm.xlane v3, v2;
	v4 =	vadd.s32 v1, v4;
	_ =	sdelay $0x1  }
0x1a5: {  	v3 =	vadd.s32 v1, v3;
	_ =	sdelay $0x2  }
0x1a6: {  	[tilespmem:s30], [sflag:$0x1] =	stream.indirect_vreg.gather [hbm4b:s1+s3], $0x80, v4, vm0, $0xb8;
	[tilespmem:$0x7080] =	vst v63  }
0x1a7: {  	_ = 	snop  }
0x1a8: {  	[tilespmem:s31], [sflag:$0x1] =	stream.indirect_vreg.gather [hbm4b:s1+s3], $0x80, v3, vm0, $0xb8;
	[tilespmem:$0x7080] =	vst v63  }
0x1a9: {  	_ =	swait.ge [sflag:s2], $0x7000  }
0x1aa: {  	[sflag:s2] =	ssyncset.done $0x0  }
0x1ab: {  	[sflag:s2] =	ssyncadd.s32 $0xFFFF9000  }
0x1ac: {  	[hbm4b:s10+s3] =	stream.linear.scatter [tilespmem:s17], [sflag:$0x2], $0x7000, $0x38;
	[tilespmem:$0x7080] =	vst v63  }
0x1ad: {  	_ =	swait.ge [sflag:s16], $0x7000  }
0x1ae: {  	[sflag:s16] =	ssyncset.done $0x0  }
0x1af: {  	[sflag:s16] =	ssyncadd.s32 $0xFFFF9000  }
0x1b0: {  	[tilespmem:s3], [sflag:$0x2] =	stream.linear.gather [hbm4b:s11+s3], $0x70, $0x38;
	[tilespmem:$0x7080] =	vst v63  }
0x1b1: {  	_ =	swait.ge [sflag:s16], $0x70  }
0x1b2: {  	[sflag:s16] =	ssyncset.done $0x0  }
0x1b3: {  	[sflag:s16] =	ssyncadd.s32 $0xFFFFFF90  }
0x1b4: {  	v3 =	vld [tilespmem:$0x0];
	_ =	sdelay $0x4  }
0x1b5: {  	v50 =	vshll.u32 v3, $0x1  }
0x1b6: {  	v3 =	vand.u32 $0x7, v3;
	v4 =	vand.u32 $0xFFFFFFF0, v50  }
0x1b7: {  	v3 =	vor.u32 v3, v4  }
0x1b8: {  	v4 =	vperm.xlane v3, v0;
	_ =	sdelay $0x1  }
0x1b9: {  	v3 =	vperm.xlane v3, v2;
	v4 =	vadd.s32 v1, v4;
	_ =	sdelay $0x1  }
0x1ba: {  	v3 =	vadd.s32 v1, v3;
	_ =	sdelay $0x2  }
0x1bb: {  	[tilespmem:s17], [sflag:$0x1] =	stream.indirect_vreg.gather [hbm4b:s1+s3], $0x80, v4, vm0, $0xb8;
	[tilespmem:$0x7080] =	vst v63  }
0x1bc: {  	_ = 	snop  }
0x1bd: {  	[tilespmem:s18], [sflag:$0x1] =	stream.indirect_vreg.gather [hbm4b:s1+s3], $0x80, v3, vm0, $0xb8;
	[tilespmem:$0x7080] =	vst v63  }
0x1be: {  	v3 =	vld [tilespmem:$0x10];
	_ =	sdelay $0x4  }
0x1bf: {  	v51 =	vshll.u32 v3, $0x1  }
0x1c0: {  	v3 =	vand.u32 $0x7, v3;
	v4 =	vand.u32 $0xFFFFFFF0, v51  }
0x1c1: {  	v3 =	vor.u32 v3, v4  }
0x1c2: {  	v4 =	vperm.xlane v3, v0;
	_ =	sdelay $0x1  }
0x1c3: {  	v3 =	vperm.xlane v3, v2;
	v4 =	vadd.s32 v1, v4;
	_ =	sdelay $0x1  }
0x1c4: {  	v3 =	vadd.s32 v1, v3;
	_ =	sdelay $0x2  }
0x1c5: {  	[tilespmem:s19], [sflag:$0x1] =	stream.indirect_vreg.gather [hbm4b:s1+s3], $0x80, v4, vm0, $0xb8;
	[tilespmem:$0x7080] =	vst v63  }
0x1c6: {  	_ = 	snop  }
0x1c7: {  	[tilespmem:s20], [sflag:$0x1] =	stream.indirect_vreg.gather [hbm4b:s1+s3], $0x80, v3, vm0, $0xb8;
	[tilespmem:$0x7080] =	vst v63  }
0x1c8: {  	v3 =	vld [tilespmem:$0x20];
	_ =	sdelay $0x4  }
0x1c9: {  	v52 =	vshll.u32 v3, $0x1  }
0x1ca: {  	v3 =	vand.u32 $0x7, v3;
	v4 =	vand.u32 $0xFFFFFFF0, v52  }
0x1cb: {  	v3 =	vor.u32 v3, v4  }
0x1cc: {  	v4 =	vperm.xlane v3, v0;
	_ =	sdelay $0x1  }
0x1cd: {  	v3 =	vperm.xlane v3, v2;
	v4 =	vadd.s32 v1, v4;
	_ =	sdelay $0x1  }
0x1ce: {  	v3 =	vadd.s32 v1, v3;
	_ =	sdelay $0x2  }
0x1cf: {  	[tilespmem:s21], [sflag:$0x1] =	stream.indirect_vreg.gather [hbm4b:s1+s3], $0x80, v4, vm0, $0xb8;
	[tilespmem:$0x7080] =	vst v63  }
0x1d0: {  	_ = 	snop  }
0x1d1: {  	[tilespmem:s22], [sflag:$0x1] =	stream.indirect_vreg.gather [hbm4b:s1+s3], $0x80, v3, vm0, $0xb8;
	[tilespmem:$0x7080] =	vst v63  }
0x1d2: {  	v3 =	vld [tilespmem:$0x30];
	_ =	sdelay $0x4  }
0x1d3: {  	v53 =	vshll.u32 v3, $0x1  }
0x1d4: {  	v3 =	vand.u32 $0x7, v3;
	v4 =	vand.u32 $0xFFFFFFF0, v53  }
0x1d5: {  	v3 =	vor.u32 v3, v4  }
0x1d6: {  	v4 =	vperm.xlane v3, v0;
	_ =	sdelay $0x1  }
0x1d7: {  	v3 =	vperm.xlane v3, v2;
	v4 =	vadd.s32 v1, v4;
	_ =	sdelay $0x1  }
0x1d8: {  	v3 =	vadd.s32 v1, v3;
	_ =	sdelay $0x2  }
0x1d9: {  	[tilespmem:s23], [sflag:$0x1] =	stream.indirect_vreg.gather [hbm4b:s1+s3], $0x80, v4, vm0, $0xb8;
	[tilespmem:$0x7080] =	vst v63  }
0x1da: {  	_ = 	snop  }
0x1db: {  	[tilespmem:s24], [sflag:$0x1] =	stream.indirect_vreg.gather [hbm4b:s1+s3], $0x80, v3, vm0, $0xb8;
	[tilespmem:$0x7080] =	vst v63  }
0x1dc: {  	v3 =	vld [tilespmem:$0x40];
	_ =	sdelay $0x4  }
0x1dd: {  	v54 =	vshll.u32 v3, $0x1  }
0x1de: {  	v3 =	vand.u32 $0x7, v3;
	v4 =	vand.u32 $0xFFFFFFF0, v54  }
0x1df: {  	v3 =	vor.u32 v3, v4  }
0x1e0: {  	v4 =	vperm.xlane v3, v0;
	_ =	sdelay $0x1  }
0x1e1: {  	v3 =	vperm.xlane v3, v2;
	v4 =	vadd.s32 v1, v4;
	_ =	sdelay $0x1  }
0x1e2: {  	v3 =	vadd.s32 v1, v3;
	_ =	sdelay $0x2  }
0x1e3: {  	[tilespmem:s25], [sflag:$0x1] =	stream.indirect_vreg.gather [hbm4b:s1+s3], $0x80, v4, vm0, $0xb8;
	[tilespmem:$0x7080] =	vst v63  }
0x1e4: {  	_ = 	snop  }
0x1e5: {  	[tilespmem:s26], [sflag:$0x1] =	stream.indirect_vreg.gather [hbm4b:s1+s3], $0x80, v3, vm0, $0xb8;
	[tilespmem:$0x7080] =	vst v63  }
0x1e6: {  	v3 =	vld [tilespmem:$0x50];
	_ =	sdelay $0x4  }
0x1e7: {  	v55 =	vshll.u32 v3, $0x1  }
0x1e8: {  	v3 =	vand.u32 $0x7, v3;
	v4 =	vand.u32 $0xFFFFFFF0, v55  }
0x1e9: {  	v3 =	vor.u32 v3, v4  }
0x1ea: {  	v4 =	vperm.xlane v3, v0;
	_ =	sdelay $0x1  }
0x1eb: {  	v3 =	vperm.xlane v3, v2;
	v4 =	vadd.s32 v1, v4;
	_ =	sdelay $0x1  }
0x1ec: {  	v3 =	vadd.s32 v1, v3;
	_ =	sdelay $0x2  }
0x1ed: {  	[tilespmem:s28], [sflag:$0x1] =	stream.indirect_vreg.gather [hbm4b:s1+s3], $0x80, v4, vm0, $0xb8;
	[tilespmem:$0x7080] =	vst v63  }
0x1ee: {  	_ = 	snop  }
0x1ef: {  	[tilespmem:s29], [sflag:$0x1] =	stream.indirect_vreg.gather [hbm4b:s1+s3], $0x80, v3, vm0, $0xb8;
	[tilespmem:$0x7080] =	vst v63  }
0x1f0: {  	v3 =	vld [tilespmem:$0x60];
	_ =	sdelay $0x4  }
0x1f1: {  	v56 =	vshll.u32 v3, $0x1  }
0x1f2: {  	v3 =	vand.u32 $0x7, v3;
	v4 =	vand.u32 $0xFFFFFFF0, v56  }
0x1f3: {  	v3 =	vor.u32 v3, v4  }
0x1f4: {  	v4 =	vperm.xlane v3, v0;
	_ =	sdelay $0x1  }
0x1f5: {  	v3 =	vperm.xlane v3, v2;
	v4 =	vadd.s32 v1, v4;
	_ =	sdelay $0x1  }
0x1f6: {  	v3 =	vadd.s32 v1, v3;
	_ =	sdelay $0x2  }
0x1f7: {  	[tilespmem:s30], [sflag:$0x1] =	stream.indirect_vreg.gather [hbm4b:s1+s3], $0x80, v4, vm0, $0xb8;
	[tilespmem:$0x7080] =	vst v63  }
0x1f8: {  	_ = 	snop  }
0x1f9: {  	[tilespmem:s31], [sflag:$0x1] =	stream.indirect_vreg.gather [hbm4b:s1+s3], $0x80, v3, vm0, $0xb8;
	[tilespmem:$0x7080] =	vst v63  }
0x1fa: {  	_ =	swait.ge [sflag:s2], $0x7000  }
0x1fb: {  	[sflag:s2] =	ssyncset.done $0x0  }
0x1fc: {  	[sflag:s2] =	ssyncadd.s32 $0xFFFF9000  }
0x1fd: {  	[hbm4b:s12+s3] =	stream.linear.scatter [tilespmem:s17], [sflag:$0x2], $0x7000, $0x38;
	[tilespmem:$0x7080] =	vst v63  }
0x1fe: {  	_ =	swait.ge [sflag:s16], $0x7000  }
0x1ff: {  	[sflag:s16] =	ssyncset.done $0x0  }
0x200: {  	[sflag:s16] =	ssyncadd.s32 $0xFFFF9000  }
0x201: {  	[tilespmem:s3], [sflag:$0x2] =	stream.linear.gather [hbm4b:s13+s3], $0x70, $0x38;
	[tilespmem:$0x7080] =	vst v63  }
0x202: {  	_ =	swait.ge [sflag:s16], $0x70  }
0x203: {  	[sflag:s16] =	ssyncset.done $0x0  }
0x204: {  	[sflag:s16] =	ssyncadd.s32 $0xFFFFFF90  }
0x205: {  	v3 =	vld [tilespmem:$0x0];
	_ =	sdelay $0x4  }
0x206: {  	v57 =	vshll.u32 v3, $0x1  }
0x207: {  	v3 =	vand.u32 $0x7, v3;
	v4 =	vand.u32 $0xFFFFFFF0, v57  }
0x208: {  	v3 =	vor.u32 v3, v4  }
0x209: {  	v4 =	vperm.xlane v3, v0;
	_ =	sdelay $0x1  }
0x20a: {  	v3 =	vperm.xlane v3, v2;
	v4 =	vadd.s32 v1, v4;
	_ =	sdelay $0x1  }
0x20b: {  	v3 =	vadd.s32 v1, v3;
	_ =	sdelay $0x2  }
0x20c: {  	[tilespmem:s17], [sflag:$0x1] =	stream.indirect_vreg.gather [hbm4b:s1+s3], $0x80, v4, vm0, $0xb8;
	[tilespmem:$0x7080] =	vst v63  }
0x20d: {  	_ = 	snop  }
0x20e: {  	[tilespmem:s18], [sflag:$0x1] =	stream.indirect_vreg.gather [hbm4b:s1+s3], $0x80, v3, vm0, $0xb8;
	[tilespmem:$0x7080] =	vst v63  }
0x20f: {  	v3 =	vld [tilespmem:$0x10];
	_ =	sdelay $0x4  }
0x210: {  	v58 =	vshll.u32 v3, $0x1  }
0x211: {  	v3 =	vand.u32 $0x7, v3;
	v4 =	vand.u32 $0xFFFFFFF0, v58  }
0x212: {  	v3 =	vor.u32 v3, v4  }
0x213: {  	v4 =	vperm.xlane v3, v0;
	_ =	sdelay $0x1  }
0x214: {  	v3 =	vperm.xlane v3, v2;
	v4 =	vadd.s32 v1, v4;
	_ =	sdelay $0x1  }
0x215: {  	v3 =	vadd.s32 v1, v3;
	_ =	sdelay $0x2  }
0x216: {  	[tilespmem:s19], [sflag:$0x1] =	stream.indirect_vreg.gather [hbm4b:s1+s3], $0x80, v4, vm0, $0xb8;
	[tilespmem:$0x7080] =	vst v63  }
0x217: {  	_ = 	snop  }
0x218: {  	[tilespmem:s20], [sflag:$0x1] =	stream.indirect_vreg.gather [hbm4b:s1+s3], $0x80, v3, vm0, $0xb8;
	[tilespmem:$0x7080] =	vst v63  }
0x219: {  	v3 =	vld [tilespmem:$0x20];
	_ =	sdelay $0x4  }
0x21a: {  	v59 =	vshll.u32 v3, $0x1  }
0x21b: {  	v3 =	vand.u32 $0x7, v3;
	v4 =	vand.u32 $0xFFFFFFF0, v59  }
0x21c: {  	v3 =	vor.u32 v3, v4  }
0x21d: {  	v4 =	vperm.xlane v3, v0;
	_ =	sdelay $0x1  }
0x21e: {  	v3 =	vperm.xlane v3, v2;
	v4 =	vadd.s32 v1, v4;
	_ =	sdelay $0x1  }
0x21f: {  	v3 =	vadd.s32 v1, v3;
	_ =	sdelay $0x2  }
0x220: {  	[tilespmem:s21], [sflag:$0x1] =	stream.indirect_vreg.gather [hbm4b:s1+s3], $0x80, v4, vm0, $0xb8;
	[tilespmem:$0x7080] =	vst v63  }
0x221: {  	_ = 	snop  }
0x222: {  	[tilespmem:s22], [sflag:$0x1] =	stream.indirect_vreg.gather [hbm4b:s1+s3], $0x80, v3, vm0, $0xb8;
	[tilespmem:$0x7080] =	vst v63  }
0x223: {  	v3 =	vld [tilespmem:$0x30];
	_ =	sdelay $0x4  }
0x224: {  	v60 =	vshll.u32 v3, $0x1  }
0x225: {  	v3 =	vand.u32 $0x7, v3;
	v4 =	vand.u32 $0xFFFFFFF0, v60  }
0x226: {  	v3 =	vor.u32 v3, v4  }
0x227: {  	v4 =	vperm.xlane v3, v0;
	_ =	sdelay $0x1  }
0x228: {  	v3 =	vperm.xlane v3, v2;
	v4 =	vadd.s32 v1, v4;
	_ =	sdelay $0x1  }
0x229: {  	v3 =	vadd.s32 v1, v3;
	_ =	sdelay $0x2  }
0x22a: {  	[tilespmem:s23], [sflag:$0x1] =	stream.indirect_vreg.gather [hbm4b:s1+s3], $0x80, v4, vm0, $0xb8;
	[tilespmem:$0x7080] =	vst v63  }
0x22b: {  	_ = 	snop  }
0x22c: {  	[tilespmem:s24], [sflag:$0x1] =	stream.indirect_vreg.gather [hbm4b:s1+s3], $0x80, v3, vm0, $0xb8;
	[tilespmem:$0x7080] =	vst v63  }
0x22d: {  	v3 =	vld [tilespmem:$0x40];
	_ =	sdelay $0x4  }
0x22e: {  	v61 =	vshll.u32 v3, $0x1  }
0x22f: {  	v3 =	vand.u32 $0x7, v3;
	v4 =	vand.u32 $0xFFFFFFF0, v61  }
0x230: {  	v3 =	vor.u32 v3, v4  }
0x231: {  	v4 =	vperm.xlane v3, v0;
	_ =	sdelay $0x1  }
0x232: {  	v3 =	vperm.xlane v3, v2;
	v4 =	vadd.s32 v1, v4;
	_ =	sdelay $0x1  }
0x233: {  	v3 =	vadd.s32 v1, v3;
	_ =	sdelay $0x2  }
0x234: {  	[tilespmem:s25], [sflag:$0x1] =	stream.indirect_vreg.gather [hbm4b:s1+s3], $0x80, v4, vm0, $0xb8;
	[tilespmem:$0x7080] =	vst v63  }
0x235: {  	_ = 	snop  }
0x236: {  	[tilespmem:s26], [sflag:$0x1] =	stream.indirect_vreg.gather [hbm4b:s1+s3], $0x80, v3, vm0, $0xb8;
	[tilespmem:$0x7080] =	vst v63  }
0x237: {  	v3 =	vld [tilespmem:$0x50];
	_ =	sdelay $0x4  }
0x238: {  	v62 =	vshll.u32 v3, $0x1  }
0x239: {  	v3 =	vand.u32 $0x7, v3;
	v4 =	vand.u32 $0xFFFFFFF0, v62  }
0x23a: {  	v3 =	vor.u32 v3, v4  }
0x23b: {  	v4 =	vperm.xlane v3, v0;
	_ =	sdelay $0x1  }
0x23c: {  	v3 =	vperm.xlane v3, v2;
	v4 =	vadd.s32 v1, v4;
	_ =	sdelay $0x1  }
0x23d: {  	v3 =	vadd.s32 v1, v3;
	_ =	sdelay $0x2  }
0x23e: {  	[tilespmem:s28], [sflag:$0x1] =	stream.indirect_vreg.gather [hbm4b:s1+s3], $0x80, v4, vm0, $0xb8;
	[tilespmem:$0x7080] =	vst v63  }
0x23f: {  	_ = 	snop  }
0x240: {  	[tilespmem:s29], [sflag:$0x1] =	stream.indirect_vreg.gather [hbm4b:s1+s3], $0x80, v3, vm0, $0xb8;
	[tilespmem:$0x7080] =	vst v63  }
0x241: {  	v3 =	vld [tilespmem:$0x60];
	_ =	sdelay $0x4  }
0x242: {  	v63 =	vshll.u32 v3, $0x1  }
0x243: {  	v3 =	vand.u32 $0x7, v3;
	v4 =	vand.u32 $0xFFFFFFF0, v63  }
0x244: {  	v3 =	vor.u32 v3, v4  }
0x245: {  	v4 =	vperm.xlane v3, v0;
	_ =	sdelay $0x1  }
0x246: {  	v3 =	vperm.xlane v3, v2;
	v4 =	vadd.s32 v1, v4;
	_ =	sdelay $0x1  }
0x247: {  	v3 =	vadd.s32 v1, v3;
	_ =	sdelay $0x2  }
0x248: {  	[tilespmem:s30], [sflag:$0x1] =	stream.indirect_vreg.gather [hbm4b:s1+s3], $0x80, v4, vm0, $0xb8;
	[tilespmem:$0x7080] =	vst v63  }
0x249: {  	_ = 	snop  }
0x24a: {  	[tilespmem:s31], [sflag:$0x1] =	stream.indirect_vreg.gather [hbm4b:s1+s3], $0x80, v3, vm0, $0xb8;
	[tilespmem:$0x7080] =	vst v63  }
0x24b: {  	_ =	swait.ge [sflag:s2], $0x7000  }
0x24c: {  	p0 =	sne.s32 s15, $0x1;
	[sflag:s2] =	ssyncset.done $0x0  }
.Ltmp0:
0x24d: {  	[sflag:s2] =	ssyncadd.s32 $0xFFFF9000;
	(pc) =	sbr.rel @p0 .LBB2_1-.Ltmp0, $4  }
0x24e: {  	[hbm4b:s14+s3] =	stream.linear.scatter [tilespmem:s17], [sflag:$0x2], $0x7000, $0x38;
	[tilespmem:$0x7080] =	vst v63  }
0x24f: {  	_ =	swait.ge [sflag:s16], $0x7000  }
0x250: {  	[sflag:s16] =	ssyncset.done $0x0  }
0x251: {  	s15 =	sadd.s32 $0xFFFFFFFF, s15;
	[sflag:s16] =	ssyncadd.s32 $0xFFFF9000  }
0x252: {  	_ =	sfence.sel $0x180000  }
0x253: {  	[bflag:$0x0] =	sbarrier.arrive $0xFFFF  }
0x254: {  	_ =	strace $0x90000047  }
0x255: {  	s0 =	stileid.u32;
	[bflag:$0x2] =	sbarrier.arrive $0xFFFF  }
0x256: {  	p0 =	sne.s32 s0, $0x0;
	s0 =	rddreg [dreg:$0x3]  }
0x257: {  	s0 =	sadd.s32 @!p0 $0x100000, s0  }
0x258: {  	[sflag:s0] =	ssyncadd.tile.s32 @!p0 $0x1;
	_ =	shalt  }
.Lfunc_end2:
_tile_overlayer_lowered:
.L_overlay_start_2:
0x259: {  	(tag) =	ssettag $0x2  }
0x25a: {  	s0 =	rddreg [dreg:$0x0];
	s2 =	stileid.u32  }
0x25b: {  	s1 =	rddreg [dreg:$0x1];
	p0 =	sne.s32 s2, $0x0  }
0x25c: {  	s3 =	rddreg [dreg:$0x2];
	[bflag:$0x3] =	sbarrier.arrive $0xFFFF;
	s2 =	simm.s32 @!p0 $0x1C02  }
0x25d: {  	[timem:s3], [sflag:s2] =	dma.local @!p0 [hbm:s0], s1  }
0x25e: {  	s0 =	simm.s32 @!p0 $0x2  }
0x25f: {  	_ =	swait.ge @!p0 [sflag:s0], s1  }
0x260: {  	s1 =	ssub.s32 @!p0 $0x0, s1;
	[sflag:s0] =	ssyncset.done @!p0 $0x0  }
0x261: {  	[sflag:s0] =	ssyncadd.s32 @!p0 s1  }
0x262: {  	[bflag:$0x3] =	sbarrier.arrive $0xFFFF  }
0x263: {  	_ =	shalt  }

</sc_bundles>
